<compile_context>
chip_gen: v7x
topology: tpu7x:2x2x1
jax: 0.10.2.dev20260603
libtpu: 0.0.44.dev20260713+nightly
codegen_flags: <defaults>
</compile_context>

<pallas_src>
import functools

import jax
import jax.numpy as jnp
from jax import lax
from jax.experimental import pallas as pl
from jax.experimental.pallas import tpu as pltpu
from jax.experimental.pallas import tpu_sc as plsc

B = 4096
S = 200
D = 64
N = B * S
MAXPOS = 2048
NC = 2
NS = 16
NW = NC * NS
ROWS_PER_W = N // NW
C = 128
CHUNKS = ROWS_PER_W // C
NBUF = 5
LEAD = 2
DEFER = 2


def _sc_gather_add(x2, pos1, pe):
    mesh = plsc.VectorSubcoreMesh(core_axis_name="c", subcore_axis_name="s")

    @functools.partial(
        pl.kernel,
        mesh=mesh,
        out_type=jax.ShapeDtypeStruct((N, D), jnp.float32),
        scratch_types=[
            pltpu.VMEM((NBUF, C), jnp.int32),
            pltpu.VMEM((NBUF, C, D), jnp.float32),
            pltpu.SemaphoreType.DMA((NBUF,)),
            pltpu.SemaphoreType.DMA((NBUF,)),
            pltpu.SemaphoreType.DMA((NBUF,)),
            pltpu.SemaphoreType.DMA((NBUF,)),
        ],
        compiler_params=pltpu.CompilerParams(use_tc_tiling_on_sc=False),
    )
    def k(x_hbm, pos_hbm, pe_hbm, out_hbm, idx_v, x_v, sem_i, sem_x, sem_g,
          sem_o):
        wid = lax.axis_index("s") * NC + lax.axis_index("c")
        base_w = wid * ROWS_PER_W

        def issue_in(t, b):
            base = base_w + t * C
            pltpu.async_copy(pos_hbm.at[pl.ds(base, C)], idx_v.at[b],
                             sem_i.at[b])
            pltpu.async_copy(x_hbm.at[pl.ds(base, C)], x_v.at[b], sem_x.at[b])

        def wait_out(b):
            pltpu.make_async_copy(x_v.at[b], out_hbm.at[pl.ds(base_w, C)],
                                  sem_o.at[b]).wait()

        for b in range(LEAD):
            issue_in(b, b)

        def retire_gather_issue_out(b, t):
            pltpu.make_async_copy(pe_hbm.at[idx_v.at[b]], x_v.at[b],
                                  sem_g.at[b]).wait()
            pltpu.async_copy(x_v.at[b],
                             out_hbm.at[pl.ds(base_w + t * C, C)],
                             sem_o.at[b])

        def slot_body(g, carry):
            for b in range(NBUF):
                t = g * NBUF + b
                pb = (b + LEAD) % NBUF
                prev_b = (b - DEFER) % NBUF
                tp = t + LEAD

                @pl.when(tp < CHUNKS)
                def _():
                    @pl.when(t >= NBUF - LEAD)
                    def _():
                        wait_out(pb)
                    issue_in(tp, pb)

                pltpu.make_async_copy(pos_hbm.at[pl.ds(base_w, C)],
                                      idx_v.at[b], sem_i.at[b]).wait()
                pltpu.make_async_copy(x_hbm.at[pl.ds(base_w, C)], x_v.at[b],
                                      sem_x.at[b]).wait()
                pltpu.async_copy(pe_hbm.at[idx_v.at[b]], x_v.at[b],
                                 sem_g.at[b], add=True)

                @pl.when(t >= DEFER)
                def _():
                    retire_gather_issue_out(prev_b, t - DEFER)
            return carry

        lax.fori_loop(0, CHUNKS // NBUF, slot_body, 0)

        for d in range(DEFER):
            t = CHUNKS - DEFER + d
            retire_gather_issue_out(t % NBUF, t)
        for b in range(NBUF):
            wait_out(b)

    return k(x2, pos1, pe)


def kernel(x, positions, pe):
    x2 = x.reshape(N, D)
    pos1 = positions.reshape(N).astype(jnp.int32)
    out = _sc_gather_add(x2, pos1, pe)
    return out.reshape(B, S, D)

# --- scband reference (transcript-rebuilt; emitter-appended) ---
"""Pipeline reference for scband-temporal-positional-encoding-25890062860407 (READ-ONLY COPY).

The authoritative reference and input builder live on the scoring server;
editing this copy changes nothing except your own understanding.
"""

import jax, jax.numpy as jnp
import numpy as np
import math

EMBED_DIM = 64
MAX_POSITION = 2048
SCALE_FACTOR = 1.0
B = 4096
SEQ_LEN = 200

def _build_pe():
    position = jnp.arange(MAX_POSITION, dtype=jnp.float32)[:, None]
    div_term = jnp.exp(jnp.arange(0, EMBED_DIM, 2, dtype=jnp.float32) * -(math.log(10000.0) / EMBED_DIM))
    pe = jnp.zeros((MAX_POSITION, EMBED_DIM), dtype=jnp.float32)
    pe = pe.at[:, 0::2].set(jnp.sin(position * div_term))
    pe = pe.at[:, 1::2].set(jnp.cos(position * div_term))
    pe = pe * SCALE_FACTOR
    return pe

def setup_inputs(seed: int = 0) -> dict:
    key = jax.random.key(seed)
    k_x, k_pos = jax.random.split(key)
    x = jax.random.normal(k_x, (B, SEQ_LEN, EMBED_DIM), dtype=jnp.float32)
    positions = jax.random.randint(k_pos, (B, SEQ_LEN), 0, MAX_POSITION, dtype=jnp.int64 if jax.config.jax_enable_x64 else jnp.int32)
    pe = _build_pe()
    return {"x": x, "positions": positions, "pe": pe}

def reference(x, positions, pe):
    # positions provided -> clamp and gather from sinusoidal table
    pos = jnp.clip(positions, 0, MAX_POSITION - 1).astype(jnp.int32)
    pos_encodings = jnp.take(pe, pos, axis=0)  # (B, seq_len, embed_dim)
    x_with_pos = x + pos_encodings
    # dropout p=0.0 / eval mode -> identity
    return x_with_pos

if __name__ == "__main__":
    import jax
    _d = setup_inputs()
    print(jax.jit(kernel)(*tuple(_d.values())))

</pallas_src>

<mosaic_0001>
#map = affine_map<(d0, d1) -> (0, 0)>
#map1 = affine_map<(d0, d1) -> (0)>
module attributes {stable_mosaic.version = 14 : i64} {
  func.func @k(%arg0: i32, %arg1: i32, %arg2: memref<819200x64xf32, #tpu.memory_space<hbm>>, %arg3: memref<819200xi32, #tpu.memory_space<hbm>>, %arg4: memref<2048x64xf32, #tpu.memory_space<hbm>>, %arg5: memref<819200x64xf32, #tpu.memory_space<hbm>>, %arg6: memref<5x128xi32, #tpu.memory_space<vmem>>, %arg7: memref<5x128x64xf32, #tpu.memory_space<vmem>>, %arg8: memref<5x!tpu.dma_semaphore, #tpu.memory_space<semaphore_mem>>, %arg9: memref<5x!tpu.dma_semaphore, #tpu.memory_space<semaphore_mem>>, %arg10: memref<5x!tpu.dma_semaphore, #tpu.memory_space<semaphore_mem>>, %arg11: memref<5x!tpu.dma_semaphore, #tpu.memory_space<semaphore_mem>>) attributes {dimension_semantics = [#tpu.dimension_semantics<core_parallel>, #tpu.dimension_semantics<subcore_parallel>], iteration_bounds = array<i64: 2, 16>, scalar_prefetch = 0 : i64, scratch_operands = 6 : i64, tpu.core_type = #tpu.core_type<sc_vector_subcore>, window_params = [{transform_indices = #map}, {transform_indices = #map1}, {transform_indices = #map}, {transform_indices = #map}]} {
    %mul3A = arith.constant 2 : i32
    %mul3A_0 = arith.muli %arg1, %mul3A : i32
    %add3A = arith.addi %mul3A_0, %arg0 : i32
    %mul3A_1 = arith.constant 25600 : i32
    %mul3A_2 = arith.muli %add3A, %mul3A_1 : i32
    %add3A_3 = arith.constant 0 : i32
    %add3A_4 = arith.addi %mul3A_2, %add3A_3 : i32
    %dma_start3A = arith.constant 0 : i32
    %dma_start3A_5 = arith.constant 0 : i32
    %dma_start3A_6 = arith.constant 0 : i32
    %dma_start3A_7 = tpu.memref_slice %arg6[%dma_start3A, %dma_start3A_6] : memref<5x128xi32, #tpu.memory_space<vmem>> -> memref<1x128xi32, #tpu.memory_space<vmem>>
    %dma_start3A_8 = tpu.memref_squeeze %dma_start3A_7 : memref<1x128xi32, #tpu.memory_space<vmem>> -> memref<128xi32, #tpu.memory_space<vmem>>
    %dma_start3A_9 = tpu.memref_slice %arg3[%add3A_4] : memref<819200xi32, #tpu.memory_space<hbm>> -> memref<128xi32, #tpu.memory_space<hbm>>
    %dma_start3A_10 = tpu.memref_slice %arg8[%dma_start3A_5] : memref<5x!tpu.dma_semaphore, #tpu.memory_space<semaphore_mem>> -> memref<1x!tpu.dma_semaphore, #tpu.memory_space<semaphore_mem>>
    %dma_start3A_11 = tpu.memref_squeeze %dma_start3A_10 : memref<1x!tpu.dma_semaphore, #tpu.memory_space<semaphore_mem>> -> memref<!tpu.dma_semaphore, #tpu.memory_space<semaphore_mem>>
    %dma_start3A_12 = arith.constant 0 : i32
    %dma_start3A_13 = tpu.memref_slice %arg6[%dma_start3A, %dma_start3A_12] : memref<5x128xi32, #tpu.memory_space<vmem>> -> memref<1x128xi32, #tpu.memory_space<vmem>>
    %dma_start3A_14 = tpu.memref_squeeze %dma_start3A_13 : memref<1x128xi32, #tpu.memory_space<vmem>> -> memref<128xi32, #tpu.memory_space<vmem>>
    %dma_start3A_15 = tpu.memref_slice %arg3[%add3A_4] : memref<819200xi32, #tpu.memory_space<hbm>> -> memref<128xi32, #tpu.memory_space<hbm>>
    tpu.enqueue_dma source(%dma_start3A_15 : memref<128xi32, #tpu.memory_space<hbm>>) target(%dma_start3A_14 : memref<128xi32, #tpu.memory_space<vmem>>) target_semaphore(%dma_start3A_11 : memref<!tpu.dma_semaphore, #tpu.memory_space<semaphore_mem>>)
    %dma_start3A_16 = arith.constant 0 : i32
    %dma_start3A_17 = arith.constant 0 : i32
    %dma_start3A_18 = arith.constant 0 : i32
    %dma_start3A_19 = arith.constant 0 : i32
    %dma_start3A_20 = tpu.memref_slice %arg7[%dma_start3A_16, %dma_start3A_18, %dma_start3A_19] : memref<5x128x64xf32, #tpu.memory_space<vmem>> -> memref<1x128x64xf32, #tpu.memory_space<vmem>>
    %dma_start3A_21 = tpu.memref_squeeze %dma_start3A_20 : memref<1x128x64xf32, #tpu.memory_space<vmem>> -> memref<128x64xf32, #tpu.memory_space<vmem>>
    %dma_start3A_22 = arith.constant 0 : i32
    %dma_start3A_23 = tpu.memref_slice %arg2[%add3A_4, %dma_start3A_22] : memref<819200x64xf32, #tpu.memory_space<hbm>> -> memref<128x64xf32, #tpu.memory_space<hbm>>
    %dma_start3A_24 = tpu.memref_slice %arg9[%dma_start3A_17] : memref<5x!tpu.dma_semaphore, #tpu.memory_space<semaphore_mem>> -> memref<1x!tpu.dma_semaphore, #tpu.memory_space<semaphore_mem>>
    %dma_start3A_25 = tpu.memref_squeeze %dma_start3A_24 : memref<1x!tpu.dma_semaphore, #tpu.memory_space<semaphore_mem>> -> memref<!tpu.dma_semaphore, #tpu.memory_space<semaphore_mem>>
    %dma_start3A_26 = arith.constant 0 : i32
    %dma_start3A_27 = arith.constant 0 : i32
    %dma_start3A_28 = tpu.memref_slice %arg7[%dma_start3A_16, %dma_start3A_26, %dma_start3A_27] : memref<5x128x64xf32, #tpu.memory_space<vmem>> -> memref<1x128x64xf32, #tpu.memory_space<vmem>>
    %dma_start3A_29 = tpu.memref_squeeze %dma_start3A_28 : memref<1x128x64xf32, #tpu.memory_space<vmem>> -> memref<128x64xf32, #tpu.memory_space<vmem>>
    %dma_start3A_30 = arith.constant 0 : i32
    %dma_start3A_31 = tpu.memref_slice %arg2[%add3A_4, %dma_start3A_30] : memref<819200x64xf32, #tpu.memory_space<hbm>> -> memref<128x64xf32, #tpu.memory_space<hbm>>
    tpu.enqueue_dma source(%dma_start3A_31 : memref<128x64xf32, #tpu.memory_space<hbm>>) target(%dma_start3A_29 : memref<128x64xf32, #tpu.memory_space<vmem>>) target_semaphore(%dma_start3A_25 : memref<!tpu.dma_semaphore, #tpu.memory_space<semaphore_mem>>)
    %add3A_32 = arith.constant 128 : i32
    %add3A_33 = arith.addi %mul3A_2, %add3A_32 : i32
    %dma_start3A_34 = arith.constant 1 : i32
    %dma_start3A_35 = arith.constant 1 : i32
    %dma_start3A_36 = arith.constant 0 : i32
    %dma_start3A_37 = tpu.memref_slice %arg6[%dma_start3A_34, %dma_start3A_36] : memref<5x128xi32, #tpu.memory_space<vmem>> -> memref<1x128xi32, #tpu.memory_space<vmem>>
    %dma_start3A_38 = tpu.memref_squeeze %dma_start3A_37 : memref<1x128xi32, #tpu.memory_space<vmem>> -> memref<128xi32, #tpu.memory_space<vmem>>
    %dma_start3A_39 = tpu.memref_slice %arg3[%add3A_33] : memref<819200xi32, #tpu.memory_space<hbm>> -> memref<128xi32, #tpu.memory_space<hbm>>
    %dma_start3A_40 = tpu.memref_slice %arg8[%dma_start3A_35] : memref<5x!tpu.dma_semaphore, #tpu.memory_space<semaphore_mem>> -> memref<1x!tpu.dma_semaphore, #tpu.memory_space<semaphore_mem>>
    %dma_start3A_41 = tpu.memref_squeeze %dma_start3A_40 : memref<1x!tpu.dma_semaphore, #tpu.memory_space<semaphore_mem>> -> memref<!tpu.dma_semaphore, #tpu.memory_space<semaphore_mem>>
    %dma_start3A_42 = arith.constant 0 : i32
    %dma_start3A_43 = tpu.memref_slice %arg6[%dma_start3A_34, %dma_start3A_42] : memref<5x128xi32, #tpu.memory_space<vmem>> -> memref<1x128xi32, #tpu.memory_space<vmem>>
    %dma_start3A_44 = tpu.memref_squeeze %dma_start3A_43 : memref<1x128xi32, #tpu.memory_space<vmem>> -> memref<128xi32, #tpu.memory_space<vmem>>
    %dma_start3A_45 = tpu.memref_slice %arg3[%add3A_33] : memref<819200xi32, #tpu.memory_space<hbm>> -> memref<128xi32, #tpu.memory_space<hbm>>
    tpu.enqueue_dma source(%dma_start3A_45 : memref<128xi32, #tpu.memory_space<hbm>>) target(%dma_start3A_44 : memref<128xi32, #tpu.memory_space<vmem>>) target_semaphore(%dma_start3A_41 : memref<!tpu.dma_semaphore, #tpu.memory_space<semaphore_mem>>)
    %dma_start3A_46 = arith.constant 1 : i32
    %dma_start3A_47 = arith.constant 1 : i32
    %dma_start3A_48 = arith.constant 0 : i32
    %dma_start3A_49 = arith.constant 0 : i32
    %dma_start3A_50 = tpu.memref_slice %arg7[%dma_start3A_46, %dma_start3A_48, %dma_start3A_49] : memref<5x128x64xf32, #tpu.memory_space<vmem>> -> memref<1x128x64xf32, #tpu.memory_space<vmem>>
    %dma_start3A_51 = tpu.memref_squeeze %dma_start3A_50 : memref<1x128x64xf32, #tpu.memory_space<vmem>> -> memref<128x64xf32, #tpu.memory_space<vmem>>
    %dma_start3A_52 = arith.constant 0 : i32
    %dma_start3A_53 = tpu.memref_slice %arg2[%add3A_33, %dma_start3A_52] : memref<819200x64xf32, #tpu.memory_space<hbm>> -> memref<128x64xf32, #tpu.memory_space<hbm>>
    %dma_start3A_54 = tpu.memref_slice %arg9[%dma_start3A_47] : memref<5x!tpu.dma_semaphore, #tpu.memory_space<semaphore_mem>> -> memref<1x!tpu.dma_semaphore, #tpu.memory_space<semaphore_mem>>
    %dma_start3A_55 = tpu.memref_squeeze %dma_start3A_54 : memref<1x!tpu.dma_semaphore, #tpu.memory_space<semaphore_mem>> -> memref<!tpu.dma_semaphore, #tpu.memory_space<semaphore_mem>>
    %dma_start3A_56 = arith.constant 0 : i32
    %dma_start3A_57 = arith.constant 0 : i32
    %dma_start3A_58 = tpu.memref_slice %arg7[%dma_start3A_46, %dma_start3A_56, %dma_start3A_57] : memref<5x128x64xf32, #tpu.memory_space<vmem>> -> memref<1x128x64xf32, #tpu.memory_space<vmem>>
    %dma_start3A_59 = tpu.memref_squeeze %dma_start3A_58 : memref<1x128x64xf32, #tpu.memory_space<vmem>> -> memref<128x64xf32, #tpu.memory_space<vmem>>
    %dma_start3A_60 = arith.constant 0 : i32
    %dma_start3A_61 = tpu.memref_slice %arg2[%add3A_33, %dma_start3A_60] : memref<819200x64xf32, #tpu.memory_space<hbm>> -> memref<128x64xf32, #tpu.memory_space<hbm>>
    tpu.enqueue_dma source(%dma_start3A_61 : memref<128x64xf32, #tpu.memory_space<hbm>>) target(%dma_start3A_59 : memref<128x64xf32, #tpu.memory_space<vmem>>) target_semaphore(%dma_start3A_55 : memref<!tpu.dma_semaphore, #tpu.memory_space<semaphore_mem>>)
    %scan3A = arith.constant 0 : i32
    %scan3A_62 = arith.constant 0 : i32
    %scan3A_63 = arith.constant 40 : i32
    %scan3A_64 = arith.addi %scan3A_62, %scan3A_63 : i32
    %scan3A_65 = arith.constant 1 : i32
    scf.for %scan3A_212 = %scan3A_62 to %scan3A_64 step %scan3A_65  : i32 {
      %mul3A_213 = arith.constant 5 : i32
      %mul3A_214 = arith.muli %scan3A_212, %mul3A_213 : i32
      %add3A_215 = arith.constant 0 : i32
      %add3A_216 = arith.addi %mul3A_214, %add3A_215 : i32
      %add3A_217 = arith.constant 2 : i32
      %add3A_218 = arith.addi %add3A_216, %add3A_217 : i32
      %lt3A = arith.constant 200 : i32
      %lt3A_219 = arith.cmpi slt, %add3A_218, %lt3A : i32
      %convert_element_type3A = arith.extui %lt3A_219 : i1 to i32
      %cond3A = arith.constant 0 : i32
      %cond3A_220 = arith.cmpi ne, %convert_element_type3A, %cond3A : i32
      scf.if %cond3A_220 {
        %ge3A_504 = arith.constant 3 : i32
        %ge3A_505 = arith.cmpi sge, %add3A_216, %ge3A_504 : i32
        %convert_element_type3A_506 = arith.extui %ge3A_505 : i1 to i32
        %cond3A_507 = arith.constant 0 : i32
        %cond3A_508 = arith.cmpi ne, %convert_element_type3A_506, %cond3A_507 : i32
        scf.if %cond3A_508 {
          %dma_wait3A_540 = arith.constant 2 : i32
          %dma_wait3A_541 = arith.constant 2 : i32
          %dma_wait3A_542 = arith.constant 0 : i32
          %dma_wait3A_543 = arith.constant 0 : i32
          %dma_wait3A_544 = tpu.memref_slice %arg7[%dma_wait3A_540, %dma_wait3A_542, %dma_wait3A_543] : memref<5x128x64xf32, #tpu.memory_space<vmem>> -> memref<1x128x64xf32, #tpu.memory_space<vmem>>
          %dma_wait3A_545 = tpu.memref_squeeze %dma_wait3A_544 : memref<1x128x64xf32, #tpu.memory_space<vmem>> -> memref<128x64xf32, #tpu.memory_space<vmem>>
          %dma_wait3A_546 = arith.constant 0 : i32
          %dma_wait3A_547 = tpu.memref_slice %arg5[%mul3A_2, %dma_wait3A_546] : memref<819200x64xf32, #tpu.memory_space<hbm>> -> memref<128x64xf32, #tpu.memory_space<hbm>>
          %dma_wait3A_548 = tpu.memref_slice %arg11[%dma_wait3A_541] : memref<5x!tpu.dma_semaphore, #tpu.memory_space<semaphore_mem>> -> memref<1x!tpu.dma_semaphore, #tpu.memory_space<semaphore_mem>>
          %dma_wait3A_549 = tpu.memref_squeeze %dma_wait3A_548 : memref<1x!tpu.dma_semaphore, #tpu.memory_space<semaphore_mem>> -> memref<!tpu.dma_semaphore, #tpu.memory_space<semaphore_mem>>
          %dma_wait3A_550 = arith.constant 0 : i32
          %dma_wait3A_551 = tpu.memref_slice %arg5[%mul3A_2, %dma_wait3A_550] : memref<819200x64xf32, #tpu.memory_space<hbm>> -> memref<128x64xf32, #tpu.memory_space<hbm>>
          %dma_wait3A_552 = arith.constant 0 : i32
          %dma_wait3A_553 = arith.constant 0 : i32
          %dma_wait3A_554 = tpu.memref_slice %arg7[%dma_wait3A_540, %dma_wait3A_552, %dma_wait3A_553] : memref<5x128x64xf32, #tpu.memory_space<vmem>> -> memref<1x128x64xf32, #tpu.memory_space<vmem>>
          %dma_wait3A_555 = tpu.memref_squeeze %dma_wait3A_554 : memref<1x128x64xf32, #tpu.memory_space<vmem>> -> memref<128x64xf32, #tpu.memory_space<vmem>>
          tpu.wait_dma2 semaphore(%dma_wait3A_549 : memref<!tpu.dma_semaphore, #tpu.memory_space<semaphore_mem>>) src(%dma_wait3A_555 : memref<128x64xf32, #tpu.memory_space<vmem>>) dst(%dma_wait3A_551 : memref<128x64xf32, #tpu.memory_space<hbm>>)
        } else {
        }
        %mul3A_509 = arith.constant 128 : i32
        %mul3A_510 = arith.muli %add3A_218, %mul3A_509 : i32
        %add3A_511 = arith.addi %mul3A_2, %mul3A_510 : i32
        %dma_start3A_512 = arith.constant 2 : i32
        %dma_start3A_513 = arith.constant 2 : i32
        %dma_start3A_514 = arith.constant 0 : i32
        %dma_start3A_515 = tpu.memref_slice %arg6[%dma_start3A_512, %dma_start3A_514] : memref<5x128xi32, #tpu.memory_space<vmem>> -> memref<1x128xi32, #tpu.memory_space<vmem>>
        %dma_start3A_516 = tpu.memref_squeeze %dma_start3A_515 : memref<1x128xi32, #tpu.memory_space<vmem>> -> memref<128xi32, #tpu.memory_space<vmem>>
        %dma_start3A_517 = tpu.memref_slice %arg3[%add3A_511] : memref<819200xi32, #tpu.memory_space<hbm>> -> memref<128xi32, #tpu.memory_space<hbm>>
        %dma_start3A_518 = tpu.memref_slice %arg8[%dma_start3A_513] : memref<5x!tpu.dma_semaphore, #tpu.memory_space<semaphore_mem>> -> memref<1x!tpu.dma_semaphore, #tpu.memory_space<semaphore_mem>>
        %dma_start3A_519 = tpu.memref_squeeze %dma_start3A_518 : memref<1x!tpu.dma_semaphore, #tpu.memory_space<semaphore_mem>> -> memref<!tpu.dma_semaphore, #tpu.memory_space<semaphore_mem>>
        %dma_start3A_520 = arith.constant 0 : i32
        %dma_start3A_521 = tpu.memref_slice %arg6[%dma_start3A_512, %dma_start3A_520] : memref<5x128xi32, #tpu.memory_space<vmem>> -> memref<1x128xi32, #tpu.memory_space<vmem>>
        %dma_start3A_522 = tpu.memref_squeeze %dma_start3A_521 : memref<1x128xi32, #tpu.memory_space<vmem>> -> memref<128xi32, #tpu.memory_space<vmem>>
        %dma_start3A_523 = tpu.memref_slice %arg3[%add3A_511] : memref<819200xi32, #tpu.memory_space<hbm>> -> memref<128xi32, #tpu.memory_space<hbm>>
        tpu.enqueue_dma source(%dma_start3A_523 : memref<128xi32, #tpu.memory_space<hbm>>) target(%dma_start3A_522 : memref<128xi32, #tpu.memory_space<vmem>>) target_semaphore(%dma_start3A_519 : memref<!tpu.dma_semaphore, #tpu.memory_space<semaphore_mem>>)
        %dma_start3A_524 = arith.constant 2 : i32
        %dma_start3A_525 = arith.constant 2 : i32
        %dma_start3A_526 = arith.constant 0 : i32
        %dma_start3A_527 = arith.constant 0 : i32
        %dma_start3A_528 = tpu.memref_slice %arg7[%dma_start3A_524, %dma_start3A_526, %dma_start3A_527] : memref<5x128x64xf32, #tpu.memory_space<vmem>> -> memref<1x128x64xf32, #tpu.memory_space<vmem>>
        %dma_start3A_529 = tpu.memref_squeeze %dma_start3A_528 : memref<1x128x64xf32, #tpu.memory_space<vmem>> -> memref<128x64xf32, #tpu.memory_space<vmem>>
        %dma_start3A_530 = arith.constant 0 : i32
        %dma_start3A_531 = tpu.memref_slice %arg2[%add3A_511, %dma_start3A_530] : memref<819200x64xf32, #tpu.memory_space<hbm>> -> memref<128x64xf32, #tpu.memory_space<hbm>>
        %dma_start3A_532 = tpu.memref_slice %arg9[%dma_start3A_525] : memref<5x!tpu.dma_semaphore, #tpu.memory_space<semaphore_mem>> -> memref<1x!tpu.dma_semaphore, #tpu.memory_space<semaphore_mem>>
        %dma_start3A_533 = tpu.memref_squeeze %dma_start3A_532 : memref<1x!tpu.dma_semaphore, #tpu.memory_space<semaphore_mem>> -> memref<!tpu.dma_semaphore, #tpu.memory_space<semaphore_mem>>
        %dma_start3A_534 = arith.constant 0 : i32
        %dma_start3A_535 = arith.constant 0 : i32
        %dma_start3A_536 = tpu.memref_slice %arg7[%dma_start3A_524, %dma_start3A_534, %dma_start3A_535] : memref<5x128x64xf32, #tpu.memory_space<vmem>> -> memref<1x128x64xf32, #tpu.memory_space<vmem>>
        %dma_start3A_537 = tpu.memref_squeeze %dma_start3A_536 : memref<1x128x64xf32, #tpu.memory_space<vmem>> -> memref<128x64xf32, #tpu.memory_space<vmem>>
        %dma_start3A_538 = arith.constant 0 : i32
        %dma_start3A_539 = tpu.memref_slice %arg2[%add3A_511, %dma_start3A_538] : memref<819200x64xf32, #tpu.memory_space<hbm>> -> memref<128x64xf32, #tpu.memory_space<hbm>>
        tpu.enqueue_dma source(%dma_start3A_539 : memref<128x64xf32, #tpu.memory_space<hbm>>) target(%dma_start3A_537 : memref<128x64xf32, #tpu.memory_space<vmem>>) target_semaphore(%dma_start3A_533 : memref<!tpu.dma_semaphore, #tpu.memory_space<semaphore_mem>>)
      } else {
      }
      %dma_wait3A_221 = arith.constant 0 : i32
      %dma_wait3A_222 = arith.constant 0 : i32
      %dma_wait3A_223 = arith.constant 0 : i32
      %dma_wait3A_224 = tpu.memref_slice %arg6[%dma_wait3A_221, %dma_wait3A_223] : memref<5x128xi32, #tpu.memory_space<vmem>> -> memref<1x128xi32, #tpu.memory_space<vmem>>
      %dma_wait3A_225 = tpu.memref_squeeze %dma_wait3A_224 : memref<1x128xi32, #tpu.memory_space<vmem>> -> memref<128xi32, #tpu.memory_space<vmem>>
      %dma_wait3A_226 = tpu.memref_slice %arg3[%mul3A_2] : memref<819200xi32, #tpu.memory_space<hbm>> -> memref<128xi32, #tpu.memory_space<hbm>>
      %dma_wait3A_227 = tpu.memref_slice %arg8[%dma_wait3A_222] : memref<5x!tpu.dma_semaphore, #tpu.memory_space<semaphore_mem>> -> memref<1x!tpu.dma_semaphore, #tpu.memory_space<semaphore_mem>>
      %dma_wait3A_228 = tpu.memref_squeeze %dma_wait3A_227 : memref<1x!tpu.dma_semaphore, #tpu.memory_space<semaphore_mem>> -> memref<!tpu.dma_semaphore, #tpu.memory_space<semaphore_mem>>
      %dma_wait3A_229 = arith.constant 0 : i32
      %dma_wait3A_230 = tpu.memref_slice %arg6[%dma_wait3A_221, %dma_wait3A_229] : memref<5x128xi32, #tpu.memory_space<vmem>> -> memref<1x128xi32, #tpu.memory_space<vmem>>
      %dma_wait3A_231 = tpu.memref_squeeze %dma_wait3A_230 : memref<1x128xi32, #tpu.memory_space<vmem>> -> memref<128xi32, #tpu.memory_space<vmem>>
      %dma_wait3A_232 = tpu.memref_slice %arg3[%mul3A_2] : memref<819200xi32, #tpu.memory_space<hbm>> -> memref<128xi32, #tpu.memory_space<hbm>>
      tpu.wait_dma2 semaphore(%dma_wait3A_228 : memref<!tpu.dma_semaphore, #tpu.memory_space<semaphore_mem>>) src(%dma_wait3A_232 : memref<128xi32, #tpu.memory_space<hbm>>) dst(%dma_wait3A_231 : memref<128xi32, #tpu.memory_space<vmem>>)
      %dma_wait3A_233 = arith.constant 0 : i32
      %dma_wait3A_234 = arith.constant 0 : i32
      %dma_wait3A_235 = arith.constant 0 : i32
      %dma_wait3A_236 = arith.constant 0 : i32
      %dma_wait3A_237 = tpu.memref_slice %arg7[%dma_wait3A_233, %dma_wait3A_235, %dma_wait3A_236] : memref<5x128x64xf32, #tpu.memory_space<vmem>> -> memref<1x128x64xf32, #tpu.memory_space<vmem>>
      %dma_wait3A_238 = tpu.memref_squeeze %dma_wait3A_237 : memref<1x128x64xf32, #tpu.memory_space<vmem>> -> memref<128x64xf32, #tpu.memory_space<vmem>>
      %dma_wait3A_239 = arith.constant 0 : i32
      %dma_wait3A_240 = tpu.memref_slice %arg2[%mul3A_2, %dma_wait3A_239] : memref<819200x64xf32, #tpu.memory_space<hbm>> -> memref<128x64xf32, #tpu.memory_space<hbm>>
      %dma_wait3A_241 = tpu.memref_slice %arg9[%dma_wait3A_234] : memref<5x!tpu.dma_semaphore, #tpu.memory_space<semaphore_mem>> -> memref<1x!tpu.dma_semaphore, #tpu.memory_space<semaphore_mem>>
      %dma_wait3A_242 = tpu.memref_squeeze %dma_wait3A_241 : memref<1x!tpu.dma_semaphore, #tpu.memory_space<semaphore_mem>> -> memref<!tpu.dma_semaphore, #tpu.memory_space<semaphore_mem>>
      %dma_wait3A_243 = arith.constant 0 : i32
      %dma_wait3A_244 = arith.constant 0 : i32
      %dma_wait3A_245 = tpu.memref_slice %arg7[%dma_wait3A_233, %dma_wait3A_243, %dma_wait3A_244] : memref<5x128x64xf32, #tpu.memory_space<vmem>> -> memref<1x128x64xf32, #tpu.memory_space<vmem>>
      %dma_wait3A_246 = tpu.memref_squeeze %dma_wait3A_245 : memref<1x128x64xf32, #tpu.memory_space<vmem>> -> memref<128x64xf32, #tpu.memory_space<vmem>>
      %dma_wait3A_247 = arith.constant 0 : i32
      %dma_wait3A_248 = tpu.memref_slice %arg2[%mul3A_2, %dma_wait3A_247] : memref<819200x64xf32, #tpu.memory_space<hbm>> -> memref<128x64xf32, #tpu.memory_space<hbm>>
      tpu.wait_dma2 semaphore(%dma_wait3A_242 : memref<!tpu.dma_semaphore, #tpu.memory_space<semaphore_mem>>) src(%dma_wait3A_248 : memref<128x64xf32, #tpu.memory_space<hbm>>) dst(%dma_wait3A_246 : memref<128x64xf32, #tpu.memory_space<vmem>>)
      %dma_start3A_249 = arith.constant 0 : i32
      %dma_start3A_250 = arith.constant 0 : i32
      %dma_start3A_251 = arith.constant 0 : i32
      %dma_start3A_252 = arith.constant 0 : i32
      %dma_start3A_253 = arith.constant 0 : i32
      %dma_start3A_254 = tpu.memref_slice %arg7[%dma_start3A_250, %dma_start3A_252, %dma_start3A_253] : memref<5x128x64xf32, #tpu.memory_space<vmem>> -> memref<1x128x64xf32, #tpu.memory_space<vmem>>
      %dma_start3A_255 = tpu.memref_squeeze %dma_start3A_254 : memref<1x128x64xf32, #tpu.memory_space<vmem>> -> memref<128x64xf32, #tpu.memory_space<vmem>>
      %dma_start3A_256 = arith.constant 0 : i32
      %dma_start3A_257 = tpu.memref_slice %arg6[%dma_start3A_249, %dma_start3A_256] : memref<5x128xi32, #tpu.memory_space<vmem>> -> memref<1x128xi32, #tpu.memory_space<vmem>>
      %dma_start3A_258 = tpu.memref_squeeze %dma_start3A_257 : memref<1x128xi32, #tpu.memory_space<vmem>> -> memref<128xi32, #tpu.memory_space<vmem>>
      %dma_start3A_259 = arith.constant 0 : i32
      %dma_start3A_260 = arith.constant 0 : i32
      %dma_start3A_261 = tpu.memref_slice %arg4[%dma_start3A_259, %dma_start3A_260] : memref<2048x64xf32, #tpu.memory_space<hbm>> -> memref<2048x64xf32, #tpu.memory_space<hbm>>
      %dma_start3A_262 = tpu.memref_slice %arg10[%dma_start3A_251] : memref<5x!tpu.dma_semaphore, #tpu.memory_space<semaphore_mem>> -> memref<1x!tpu.dma_semaphore, #tpu.memory_space<semaphore_mem>>
      %dma_start3A_263 = tpu.memref_squeeze %dma_start3A_262 : memref<1x!tpu.dma_semaphore, #tpu.memory_space<semaphore_mem>> -> memref<!tpu.dma_semaphore, #tpu.memory_space<semaphore_mem>>
      tpu.enqueue_indirect_dma source(%dma_start3A_261 : memref<2048x64xf32, #tpu.memory_space<hbm>>) target(%dma_start3A_255 : memref<128x64xf32, #tpu.memory_space<vmem>>) offsets(%dma_start3A_258 : memref<128xi32, #tpu.memory_space<vmem>>) semaphore(%dma_start3A_263 : memref<!tpu.dma_semaphore, #tpu.memory_space<semaphore_mem>>) {add = true}
      %ge3A = arith.constant 2 : i32
      %ge3A_264 = arith.cmpi sge, %add3A_216, %ge3A : i32
      %convert_element_type3A_265 = arith.extui %ge3A_264 : i1 to i32
      %cond3A_266 = arith.constant 0 : i32
      %cond3A_267 = arith.cmpi ne, %convert_element_type3A_265, %cond3A_266 : i32
      scf.if %cond3A_267 {
        %sub3A = arith.constant 2 : i32
        %sub3A_504 = arith.subi %add3A_216, %sub3A : i32
        %dma_wait3A_505 = arith.constant 3 : i32
        %dma_wait3A_506 = arith.constant 3 : i32
        %dma_wait3A_507 = arith.constant 3 : i32
        %dma_wait3A_508 = arith.constant 0 : i32
        %dma_wait3A_509 = arith.constant 0 : i32
        %dma_wait3A_510 = tpu.memref_slice %arg7[%dma_wait3A_506, %dma_wait3A_508, %dma_wait3A_509] : memref<5x128x64xf32, #tpu.memory_space<vmem>> -> memref<1x128x64xf32, #tpu.memory_space<vmem>>
        %dma_wait3A_511 = tpu.memref_squeeze %dma_wait3A_510 : memref<1x128x64xf32, #tpu.memory_space<vmem>> -> memref<128x64xf32, #tpu.memory_space<vmem>>
        %dma_wait3A_512 = arith.constant 0 : i32
        %dma_wait3A_513 = tpu.memref_slice %arg6[%dma_wait3A_505, %dma_wait3A_512] : memref<5x128xi32, #tpu.memory_space<vmem>> -> memref<1x128xi32, #tpu.memory_space<vmem>>
        %dma_wait3A_514 = tpu.memref_squeeze %dma_wait3A_513 : memref<1x128xi32, #tpu.memory_space<vmem>> -> memref<128xi32, #tpu.memory_space<vmem>>
        %dma_wait3A_515 = arith.constant 0 : i32
        %dma_wait3A_516 = arith.constant 0 : i32
        %dma_wait3A_517 = tpu.memref_slice %arg4[%dma_wait3A_515, %dma_wait3A_516] : memref<2048x64xf32, #tpu.memory_space<hbm>> -> memref<2048x64xf32, #tpu.memory_space<hbm>>
        %dma_wait3A_518 = tpu.memref_slice %arg10[%dma_wait3A_507] : memref<5x!tpu.dma_semaphore, #tpu.memory_space<semaphore_mem>> -> memref<1x!tpu.dma_semaphore, #tpu.memory_space<semaphore_mem>>
        %dma_wait3A_519 = tpu.memref_squeeze %dma_wait3A_518 : memref<1x!tpu.dma_semaphore, #tpu.memory_space<semaphore_mem>> -> memref<!tpu.dma_semaphore, #tpu.memory_space<semaphore_mem>>
        tpu.wait_indirect_dma semaphore(%dma_wait3A_519 : memref<!tpu.dma_semaphore, #tpu.memory_space<semaphore_mem>>) src(%dma_wait3A_517 : memref<2048x64xf32, #tpu.memory_space<hbm>>) dst(%dma_wait3A_511 : memref<128x64xf32, #tpu.memory_space<vmem>>)
        %mul3A_520 = arith.constant 128 : i32
        %mul3A_521 = arith.muli %sub3A_504, %mul3A_520 : i32
        %add3A_522 = arith.addi %mul3A_2, %mul3A_521 : i32
        %dma_start3A_523 = arith.constant 3 : i32
        %dma_start3A_524 = arith.constant 3 : i32
        %dma_start3A_525 = arith.constant 0 : i32
        %dma_start3A_526 = arith.constant 0 : i32
        %dma_start3A_527 = tpu.memref_slice %arg7[%dma_start3A_523, %dma_start3A_525, %dma_start3A_526] : memref<5x128x64xf32, #tpu.memory_space<vmem>> -> memref<1x128x64xf32, #tpu.memory_space<vmem>>
        %dma_start3A_528 = tpu.memref_squeeze %dma_start3A_527 : memref<1x128x64xf32, #tpu.memory_space<vmem>> -> memref<128x64xf32, #tpu.memory_space<vmem>>
        %dma_start3A_529 = arith.constant 0 : i32
        %dma_start3A_530 = tpu.memref_slice %arg5[%add3A_522, %dma_start3A_529] : memref<819200x64xf32, #tpu.memory_space<hbm>> -> memref<128x64xf32, #tpu.memory_space<hbm>>
        %dma_start3A_531 = tpu.memref_slice %arg11[%dma_start3A_524] : memref<5x!tpu.dma_semaphore, #tpu.memory_space<semaphore_mem>> -> memref<1x!tpu.dma_semaphore, #tpu.memory_space<semaphore_mem>>
        %dma_start3A_532 = tpu.memref_squeeze %dma_start3A_531 : memref<1x!tpu.dma_semaphore, #tpu.memory_space<semaphore_mem>> -> memref<!tpu.dma_semaphore, #tpu.memory_space<semaphore_mem>>
        %dma_start3A_533 = arith.constant 0 : i32
        %dma_start3A_534 = tpu.memref_slice %arg5[%add3A_522, %dma_start3A_533] : memref<819200x64xf32, #tpu.memory_space<hbm>> -> memref<128x64xf32, #tpu.memory_space<hbm>>
        %dma_start3A_535 = arith.constant 0 : i32
        %dma_start3A_536 = arith.constant 0 : i32
        %dma_start3A_537 = tpu.memref_slice %arg7[%dma_start3A_523, %dma_start3A_535, %dma_start3A_536] : memref<5x128x64xf32, #tpu.memory_space<vmem>> -> memref<1x128x64xf32, #tpu.memory_space<vmem>>
        %dma_start3A_538 = tpu.memref_squeeze %dma_start3A_537 : memref<1x128x64xf32, #tpu.memory_space<vmem>> -> memref<128x64xf32, #tpu.memory_space<vmem>>
        tpu.enqueue_dma source(%dma_start3A_538 : memref<128x64xf32, #tpu.memory_space<vmem>>) target(%dma_start3A_534 : memref<128x64xf32, #tpu.memory_space<hbm>>) target_semaphore(%dma_start3A_532 : memref<!tpu.dma_semaphore, #tpu.memory_space<semaphore_mem>>)
      } else {
      }
      %mul3A_268 = arith.constant 5 : i32
      %mul3A_269 = arith.muli %scan3A_212, %mul3A_268 : i32
      %add3A_270 = arith.constant 1 : i32
      %add3A_271 = arith.addi %mul3A_269, %add3A_270 : i32
      %add3A_272 = arith.constant 2 : i32
      %add3A_273 = arith.addi %add3A_271, %add3A_272 : i32
      %lt3A_274 = arith.constant 200 : i32
      %lt3A_275 = arith.cmpi slt, %add3A_273, %lt3A_274 : i32
      %convert_element_type3A_276 = arith.extui %lt3A_275 : i1 to i32
      %cond3A_277 = arith.constant 0 : i32
      %cond3A_278 = arith.cmpi ne, %convert_element_type3A_276, %cond3A_277 : i32
      scf.if %cond3A_278 {
        %ge3A_504 = arith.constant 3 : i32
        %ge3A_505 = arith.cmpi sge, %add3A_271, %ge3A_504 : i32
        %convert_element_type3A_506 = arith.extui %ge3A_505 : i1 to i32
        %cond3A_507 = arith.constant 0 : i32
        %cond3A_508 = arith.cmpi ne, %convert_element_type3A_506, %cond3A_507 : i32
        scf.if %cond3A_508 {
          %dma_wait3A_540 = arith.constant 3 : i32
          %dma_wait3A_541 = arith.constant 3 : i32
          %dma_wait3A_542 = arith.constant 0 : i32
          %dma_wait3A_543 = arith.constant 0 : i32
          %dma_wait3A_544 = tpu.memref_slice %arg7[%dma_wait3A_540, %dma_wait3A_542, %dma_wait3A_543] : memref<5x128x64xf32, #tpu.memory_space<vmem>> -> memref<1x128x64xf32, #tpu.memory_space<vmem>>
          %dma_wait3A_545 = tpu.memref_squeeze %dma_wait3A_544 : memref<1x128x64xf32, #tpu.memory_space<vmem>> -> memref<128x64xf32, #tpu.memory_space<vmem>>
          %dma_wait3A_546 = arith.constant 0 : i32
          %dma_wait3A_547 = tpu.memref_slice %arg5[%mul3A_2, %dma_wait3A_546] : memref<819200x64xf32, #tpu.memory_space<hbm>> -> memref<128x64xf32, #tpu.memory_space<hbm>>
          %dma_wait3A_548 = tpu.memref_slice %arg11[%dma_wait3A_541] : memref<5x!tpu.dma_semaphore, #tpu.memory_space<semaphore_mem>> -> memref<1x!tpu.dma_semaphore, #tpu.memory_space<semaphore_mem>>
          %dma_wait3A_549 = tpu.memref_squeeze %dma_wait3A_548 : memref<1x!tpu.dma_semaphore, #tpu.memory_space<semaphore_mem>> -> memref<!tpu.dma_semaphore, #tpu.memory_space<semaphore_mem>>
          %dma_wait3A_550 = arith.constant 0 : i32
          %dma_wait3A_551 = tpu.memref_slice %arg5[%mul3A_2, %dma_wait3A_550] : memref<819200x64xf32, #tpu.memory_space<hbm>> -> memref<128x64xf32, #tpu.memory_space<hbm>>
          %dma_wait3A_552 = arith.constant 0 : i32
          %dma_wait3A_553 = arith.constant 0 : i32
          %dma_wait3A_554 = tpu.memref_slice %arg7[%dma_wait3A_540, %dma_wait3A_552, %dma_wait3A_553] : memref<5x128x64xf32, #tpu.memory_space<vmem>> -> memref<1x128x64xf32, #tpu.memory_space<vmem>>
          %dma_wait3A_555 = tpu.memref_squeeze %dma_wait3A_554 : memref<1x128x64xf32, #tpu.memory_space<vmem>> -> memref<128x64xf32, #tpu.memory_space<vmem>>
          tpu.wait_dma2 semaphore(%dma_wait3A_549 : memref<!tpu.dma_semaphore, #tpu.memory_space<semaphore_mem>>) src(%dma_wait3A_555 : memref<128x64xf32, #tpu.memory_space<vmem>>) dst(%dma_wait3A_551 : memref<128x64xf32, #tpu.memory_space<hbm>>)
        } else {
        }
        %mul3A_509 = arith.constant 128 : i32
        %mul3A_510 = arith.muli %add3A_273, %mul3A_509 : i32
        %add3A_511 = arith.addi %mul3A_2, %mul3A_510 : i32
        %dma_start3A_512 = arith.constant 3 : i32
        %dma_start3A_513 = arith.constant 3 : i32
        %dma_start3A_514 = arith.constant 0 : i32
        %dma_start3A_515 = tpu.memref_slice %arg6[%dma_start3A_512, %dma_start3A_514] : memref<5x128xi32, #tpu.memory_space<vmem>> -> memref<1x128xi32, #tpu.memory_space<vmem>>
        %dma_start3A_516 = tpu.memref_squeeze %dma_start3A_515 : memref<1x128xi32, #tpu.memory_space<vmem>> -> memref<128xi32, #tpu.memory_space<vmem>>
        %dma_start3A_517 = tpu.memref_slice %arg3[%add3A_511] : memref<819200xi32, #tpu.memory_space<hbm>> -> memref<128xi32, #tpu.memory_space<hbm>>
        %dma_start3A_518 = tpu.memref_slice %arg8[%dma_start3A_513] : memref<5x!tpu.dma_semaphore, #tpu.memory_space<semaphore_mem>> -> memref<1x!tpu.dma_semaphore, #tpu.memory_space<semaphore_mem>>
        %dma_start3A_519 = tpu.memref_squeeze %dma_start3A_518 : memref<1x!tpu.dma_semaphore, #tpu.memory_space<semaphore_mem>> -> memref<!tpu.dma_semaphore, #tpu.memory_space<semaphore_mem>>
        %dma_start3A_520 = arith.constant 0 : i32
        %dma_start3A_521 = tpu.memref_slice %arg6[%dma_start3A_512, %dma_start3A_520] : memref<5x128xi32, #tpu.memory_space<vmem>> -> memref<1x128xi32, #tpu.memory_space<vmem>>
        %dma_start3A_522 = tpu.memref_squeeze %dma_start3A_521 : memref<1x128xi32, #tpu.memory_space<vmem>> -> memref<128xi32, #tpu.memory_space<vmem>>
        %dma_start3A_523 = tpu.memref_slice %arg3[%add3A_511] : memref<819200xi32, #tpu.memory_space<hbm>> -> memref<128xi32, #tpu.memory_space<hbm>>
        tpu.enqueue_dma source(%dma_start3A_523 : memref<128xi32, #tpu.memory_space<hbm>>) target(%dma_start3A_522 : memref<128xi32, #tpu.memory_space<vmem>>) target_semaphore(%dma_start3A_519 : memref<!tpu.dma_semaphore, #tpu.memory_space<semaphore_mem>>)
        %dma_start3A_524 = arith.constant 3 : i32
        %dma_start3A_525 = arith.constant 3 : i32
        %dma_start3A_526 = arith.constant 0 : i32
        %dma_start3A_527 = arith.constant 0 : i32
        %dma_start3A_528 = tpu.memref_slice %arg7[%dma_start3A_524, %dma_start3A_526, %dma_start3A_527] : memref<5x128x64xf32, #tpu.memory_space<vmem>> -> memref<1x128x64xf32, #tpu.memory_space<vmem>>
        %dma_start3A_529 = tpu.memref_squeeze %dma_start3A_528 : memref<1x128x64xf32, #tpu.memory_space<vmem>> -> memref<128x64xf32, #tpu.memory_space<vmem>>
        %dma_start3A_530 = arith.constant 0 : i32
        %dma_start3A_531 = tpu.memref_slice %arg2[%add3A_511, %dma_start3A_530] : memref<819200x64xf32, #tpu.memory_space<hbm>> -> memref<128x64xf32, #tpu.memory_space<hbm>>
        %dma_start3A_532 = tpu.memref_slice %arg9[%dma_start3A_525] : memref<5x!tpu.dma_semaphore, #tpu.memory_space<semaphore_mem>> -> memref<1x!tpu.dma_semaphore, #tpu.memory_space<semaphore_mem>>
        %dma_start3A_533 = tpu.memref_squeeze %dma_start3A_532 : memref<1x!tpu.dma_semaphore, #tpu.memory_space<semaphore_mem>> -> memref<!tpu.dma_semaphore, #tpu.memory_space<semaphore_mem>>
        %dma_start3A_534 = arith.constant 0 : i32
        %dma_start3A_535 = arith.constant 0 : i32
        %dma_start3A_536 = tpu.memref_slice %arg7[%dma_start3A_524, %dma_start3A_534, %dma_start3A_535] : memref<5x128x64xf32, #tpu.memory_space<vmem>> -> memref<1x128x64xf32, #tpu.memory_space<vmem>>
        %dma_start3A_537 = tpu.memref_squeeze %dma_start3A_536 : memref<1x128x64xf32, #tpu.memory_space<vmem>> -> memref<128x64xf32, #tpu.memory_space<vmem>>
        %dma_start3A_538 = arith.constant 0 : i32
        %dma_start3A_539 = tpu.memref_slice %arg2[%add3A_511, %dma_start3A_538] : memref<819200x64xf32, #tpu.memory_space<hbm>> -> memref<128x64xf32, #tpu.memory_space<hbm>>
        tpu.enqueue_dma source(%dma_start3A_539 : memref<128x64xf32, #tpu.memory_space<hbm>>) target(%dma_start3A_537 : memref<128x64xf32, #tpu.memory_space<vmem>>) target_semaphore(%dma_start3A_533 : memref<!tpu.dma_semaphore, #tpu.memory_space<semaphore_mem>>)
      } else {
      }
      %dma_wait3A_279 = arith.constant 1 : i32
      %dma_wait3A_280 = arith.constant 1 : i32
      %dma_wait3A_281 = arith.constant 0 : i32
      %dma_wait3A_282 = tpu.memref_slice %arg6[%dma_wait3A_279, %dma_wait3A_281] : memref<5x128xi32, #tpu.memory_space<vmem>> -> memref<1x128xi32, #tpu.memory_space<vmem>>
      %dma_wait3A_283 = tpu.memref_squeeze %dma_wait3A_282 : memref<1x128xi32, #tpu.memory_space<vmem>> -> memref<128xi32, #tpu.memory_space<vmem>>
      %dma_wait3A_284 = tpu.memref_slice %arg3[%mul3A_2] : memref<819200xi32, #tpu.memory_space<hbm>> -> memref<128xi32, #tpu.memory_space<hbm>>
      %dma_wait3A_285 = tpu.memref_slice %arg8[%dma_wait3A_280] : memref<5x!tpu.dma_semaphore, #tpu.memory_space<semaphore_mem>> -> memref<1x!tpu.dma_semaphore, #tpu.memory_space<semaphore_mem>>
      %dma_wait3A_286 = tpu.memref_squeeze %dma_wait3A_285 : memref<1x!tpu.dma_semaphore, #tpu.memory_space<semaphore_mem>> -> memref<!tpu.dma_semaphore, #tpu.memory_space<semaphore_mem>>
      %dma_wait3A_287 = arith.constant 0 : i32
      %dma_wait3A_288 = tpu.memref_slice %arg6[%dma_wait3A_279, %dma_wait3A_287] : memref<5x128xi32, #tpu.memory_space<vmem>> -> memref<1x128xi32, #tpu.memory_space<vmem>>
      %dma_wait3A_289 = tpu.memref_squeeze %dma_wait3A_288 : memref<1x128xi32, #tpu.memory_space<vmem>> -> memref<128xi32, #tpu.memory_space<vmem>>
      %dma_wait3A_290 = tpu.memref_slice %arg3[%mul3A_2] : memref<819200xi32, #tpu.memory_space<hbm>> -> memref<128xi32, #tpu.memory_space<hbm>>
      tpu.wait_dma2 semaphore(%dma_wait3A_286 : memref<!tpu.dma_semaphore, #tpu.memory_space<semaphore_mem>>) src(%dma_wait3A_290 : memref<128xi32, #tpu.memory_space<hbm>>) dst(%dma_wait3A_289 : memref<128xi32, #tpu.memory_space<vmem>>)
      %dma_wait3A_291 = arith.constant 1 : i32
      %dma_wait3A_292 = arith.constant 1 : i32
      %dma_wait3A_293 = arith.constant 0 : i32
      %dma_wait3A_294 = arith.constant 0 : i32
      %dma_wait3A_295 = tpu.memref_slice %arg7[%dma_wait3A_291, %dma_wait3A_293, %dma_wait3A_294] : memref<5x128x64xf32, #tpu.memory_space<vmem>> -> memref<1x128x64xf32, #tpu.memory_space<vmem>>
      %dma_wait3A_296 = tpu.memref_squeeze %dma_wait3A_295 : memref<1x128x64xf32, #tpu.memory_space<vmem>> -> memref<128x64xf32, #tpu.memory_space<vmem>>
      %dma_wait3A_297 = arith.constant 0 : i32
      %dma_wait3A_298 = tpu.memref_slice %arg2[%mul3A_2, %dma_wait3A_297] : memref<819200x64xf32, #tpu.memory_space<hbm>> -> memref<128x64xf32, #tpu.memory_space<hbm>>
      %dma_wait3A_299 = tpu.memref_slice %arg9[%dma_wait3A_292] : memref<5x!tpu.dma_semaphore, #tpu.memory_space<semaphore_mem>> -> memref<1x!tpu.dma_semaphore, #tpu.memory_space<semaphore_mem>>
      %dma_wait3A_300 = tpu.memref_squeeze %dma_wait3A_299 : memref<1x!tpu.dma_semaphore, #tpu.memory_space<semaphore_mem>> -> memref<!tpu.dma_semaphore, #tpu.memory_space<semaphore_mem>>
      %dma_wait3A_301 = arith.constant 0 : i32
      %dma_wait3A_302 = arith.constant 0 : i32
      %dma_wait3A_303 = tpu.memref_slice %arg7[%dma_wait3A_291, %dma_wait3A_301, %dma_wait3A_302] : memref<5x128x64xf32, #tpu.memory_space<vmem>> -> memref<1x128x64xf32, #tpu.memory_space<vmem>>
      %dma_wait3A_304 = tpu.memref_squeeze %dma_wait3A_303 : memref<1x128x64xf32, #tpu.memory_space<vmem>> -> memref<128x64xf32, #tpu.memory_space<vmem>>
      %dma_wait3A_305 = arith.constant 0 : i32
      %dma_wait3A_306 = tpu.memref_slice %arg2[%mul3A_2, %dma_wait3A_305] : memref<819200x64xf32, #tpu.memory_space<hbm>> -> memref<128x64xf32, #tpu.memory_space<hbm>>
      tpu.wait_dma2 semaphore(%dma_wait3A_300 : memref<!tpu.dma_semaphore, #tpu.memory_space<semaphore_mem>>) src(%dma_wait3A_306 : memref<128x64xf32, #tpu.memory_space<hbm>>) dst(%dma_wait3A_304 : memref<128x64xf32, #tpu.memory_space<vmem>>)
      %dma_start3A_307 = arith.constant 1 : i32
      %dma_start3A_308 = arith.constant 1 : i32
      %dma_start3A_309 = arith.constant 1 : i32
      %dma_start3A_310 = arith.constant 0 : i32
      %dma_start3A_311 = arith.constant 0 : i32
      %dma_start3A_312 = tpu.memref_slice %arg7[%dma_start3A_308, %dma_start3A_310, %dma_start3A_311] : memref<5x128x64xf32, #tpu.memory_space<vmem>> -> memref<1x128x64xf32, #tpu.memory_space<vmem>>
      %dma_start3A_313 = tpu.memref_squeeze %dma_start3A_312 : memref<1x128x64xf32, #tpu.memory_space<vmem>> -> memref<128x64xf32, #tpu.memory_space<vmem>>
      %dma_start3A_314 = arith.constant 0 : i32
      %dma_start3A_315 = tpu.memref_slice %arg6[%dma_start3A_307, %dma_start3A_314] : memref<5x128xi32, #tpu.memory_space<vmem>> -> memref<1x128xi32, #tpu.memory_space<vmem>>
      %dma_start3A_316 = tpu.memref_squeeze %dma_start3A_315 : memref<1x128xi32, #tpu.memory_space<vmem>> -> memref<128xi32, #tpu.memory_space<vmem>>
      %dma_start3A_317 = arith.constant 0 : i32
      %dma_start3A_318 = arith.constant 0 : i32
      %dma_start3A_319 = tpu.memref_slice %arg4[%dma_start3A_317, %dma_start3A_318] : memref<2048x64xf32, #tpu.memory_space<hbm>> -> memref<2048x64xf32, #tpu.memory_space<hbm>>
      %dma_start3A_320 = tpu.memref_slice %arg10[%dma_start3A_309] : memref<5x!tpu.dma_semaphore, #tpu.memory_space<semaphore_mem>> -> memref<1x!tpu.dma_semaphore, #tpu.memory_space<semaphore_mem>>
      %dma_start3A_321 = tpu.memref_squeeze %dma_start3A_320 : memref<1x!tpu.dma_semaphore, #tpu.memory_space<semaphore_mem>> -> memref<!tpu.dma_semaphore, #tpu.memory_space<semaphore_mem>>
      tpu.enqueue_indirect_dma source(%dma_start3A_319 : memref<2048x64xf32, #tpu.memory_space<hbm>>) target(%dma_start3A_313 : memref<128x64xf32, #tpu.memory_space<vmem>>) offsets(%dma_start3A_316 : memref<128xi32, #tpu.memory_space<vmem>>) semaphore(%dma_start3A_321 : memref<!tpu.dma_semaphore, #tpu.memory_space<semaphore_mem>>) {add = true}
      %ge3A_322 = arith.constant 2 : i32
      %ge3A_323 = arith.cmpi sge, %add3A_271, %ge3A_322 : i32
      %convert_element_type3A_324 = arith.extui %ge3A_323 : i1 to i32
      %cond3A_325 = arith.constant 0 : i32
      %cond3A_326 = arith.cmpi ne, %convert_element_type3A_324, %cond3A_325 : i32
      scf.if %cond3A_326 {
        %sub3A = arith.constant 2 : i32
        %sub3A_504 = arith.subi %add3A_271, %sub3A : i32
        %dma_wait3A_505 = arith.constant 4 : i32
        %dma_wait3A_506 = arith.constant 4 : i32
        %dma_wait3A_507 = arith.constant 4 : i32
        %dma_wait3A_508 = arith.constant 0 : i32
        %dma_wait3A_509 = arith.constant 0 : i32
        %dma_wait3A_510 = tpu.memref_slice %arg7[%dma_wait3A_506, %dma_wait3A_508, %dma_wait3A_509] : memref<5x128x64xf32, #tpu.memory_space<vmem>> -> memref<1x128x64xf32, #tpu.memory_space<vmem>>
        %dma_wait3A_511 = tpu.memref_squeeze %dma_wait3A_510 : memref<1x128x64xf32, #tpu.memory_space<vmem>> -> memref<128x64xf32, #tpu.memory_space<vmem>>
        %dma_wait3A_512 = arith.constant 0 : i32
        %dma_wait3A_513 = tpu.memref_slice %arg6[%dma_wait3A_505, %dma_wait3A_512] : memref<5x128xi32, #tpu.memory_space<vmem>> -> memref<1x128xi32, #tpu.memory_space<vmem>>
        %dma_wait3A_514 = tpu.memref_squeeze %dma_wait3A_513 : memref<1x128xi32, #tpu.memory_space<vmem>> -> memref<128xi32, #tpu.memory_space<vmem>>
        %dma_wait3A_515 = arith.constant 0 : i32
        %dma_wait3A_516 = arith.constant 0 : i32
        %dma_wait3A_517 = tpu.memref_slice %arg4[%dma_wait3A_515, %dma_wait3A_516] : memref<2048x64xf32, #tpu.memory_space<hbm>> -> memref<2048x64xf32, #tpu.memory_space<hbm>>
        %dma_wait3A_518 = tpu.memref_slice %arg10[%dma_wait3A_507] : memref<5x!tpu.dma_semaphore, #tpu.memory_space<semaphore_mem>> -> memref<1x!tpu.dma_semaphore, #tpu.memory_space<semaphore_mem>>
        %dma_wait3A_519 = tpu.memref_squeeze %dma_wait3A_518 : memref<1x!tpu.dma_semaphore, #tpu.memory_space<semaphore_mem>> -> memref<!tpu.dma_semaphore, #tpu.memory_space<semaphore_mem>>
        tpu.wait_indirect_dma semaphore(%dma_wait3A_519 : memref<!tpu.dma_semaphore, #tpu.memory_space<semaphore_mem>>) src(%dma_wait3A_517 : memref<2048x64xf32, #tpu.memory_space<hbm>>) dst(%dma_wait3A_511 : memref<128x64xf32, #tpu.memory_space<vmem>>)
        %mul3A_520 = arith.constant 128 : i32
        %mul3A_521 = arith.muli %sub3A_504, %mul3A_520 : i32
        %add3A_522 = arith.addi %mul3A_2, %mul3A_521 : i32
        %dma_start3A_523 = arith.constant 4 : i32
        %dma_start3A_524 = arith.constant 4 : i32
        %dma_start3A_525 = arith.constant 0 : i32
        %dma_start3A_526 = arith.constant 0 : i32
        %dma_start3A_527 = tpu.memref_slice %arg7[%dma_start3A_523, %dma_start3A_525, %dma_start3A_526] : memref<5x128x64xf32, #tpu.memory_space<vmem>> -> memref<1x128x64xf32, #tpu.memory_space<vmem>>
        %dma_start3A_528 = tpu.memref_squeeze %dma_start3A_527 : memref<1x128x64xf32, #tpu.memory_space<vmem>> -> memref<128x64xf32, #tpu.memory_space<vmem>>
        %dma_start3A_529 = arith.constant 0 : i32
        %dma_start3A_530 = tpu.memref_slice %arg5[%add3A_522, %dma_start3A_529] : memref<819200x64xf32, #tpu.memory_space<hbm>> -> memref<128x64xf32, #tpu.memory_space<hbm>>
        %dma_start3A_531 = tpu.memref_slice %arg11[%dma_start3A_524] : memref<5x!tpu.dma_semaphore, #tpu.memory_space<semaphore_mem>> -> memref<1x!tpu.dma_semaphore, #tpu.memory_space<semaphore_mem>>
        %dma_start3A_532 = tpu.memref_squeeze %dma_start3A_531 : memref<1x!tpu.dma_semaphore, #tpu.memory_space<semaphore_mem>> -> memref<!tpu.dma_semaphore, #tpu.memory_space<semaphore_mem>>
        %dma_start3A_533 = arith.constant 0 : i32
        %dma_start3A_534 = tpu.memref_slice %arg5[%add3A_522, %dma_start3A_533] : memref<819200x64xf32, #tpu.memory_space<hbm>> -> memref<128x64xf32, #tpu.memory_space<hbm>>
        %dma_start3A_535 = arith.constant 0 : i32
        %dma_start3A_536 = arith.constant 0 : i32
        %dma_start3A_537 = tpu.memref_slice %arg7[%dma_start3A_523, %dma_start3A_535, %dma_start3A_536] : memref<5x128x64xf32, #tpu.memory_space<vmem>> -> memref<1x128x64xf32, #tpu.memory_space<vmem>>
        %dma_start3A_538 = tpu.memref_squeeze %dma_start3A_537 : memref<1x128x64xf32, #tpu.memory_space<vmem>> -> memref<128x64xf32, #tpu.memory_space<vmem>>
        tpu.enqueue_dma source(%dma_start3A_538 : memref<128x64xf32, #tpu.memory_space<vmem>>) target(%dma_start3A_534 : memref<128x64xf32, #tpu.memory_space<hbm>>) target_semaphore(%dma_start3A_532 : memref<!tpu.dma_semaphore, #tpu.memory_space<semaphore_mem>>)
      } else {
      }
      %mul3A_327 = arith.constant 5 : i32
      %mul3A_328 = arith.muli %scan3A_212, %mul3A_327 : i32
      %add3A_329 = arith.constant 2 : i32
      %add3A_330 = arith.addi %mul3A_328, %add3A_329 : i32
      %add3A_331 = arith.constant 2 : i32
      %add3A_332 = arith.addi %add3A_330, %add3A_331 : i32
      %lt3A_333 = arith.constant 200 : i32
      %lt3A_334 = arith.cmpi slt, %add3A_332, %lt3A_333 : i32
      %convert_element_type3A_335 = arith.extui %lt3A_334 : i1 to i32
      %cond3A_336 = arith.constant 0 : i32
      %cond3A_337 = arith.cmpi ne, %convert_element_type3A_335, %cond3A_336 : i32
      scf.if %cond3A_337 {
        %ge3A_504 = arith.constant 3 : i32
        %ge3A_505 = arith.cmpi sge, %add3A_330, %ge3A_504 : i32
        %convert_element_type3A_506 = arith.extui %ge3A_505 : i1 to i32
        %cond3A_507 = arith.constant 0 : i32
        %cond3A_508 = arith.cmpi ne, %convert_element_type3A_506, %cond3A_507 : i32
        scf.if %cond3A_508 {
          %dma_wait3A_540 = arith.constant 4 : i32
          %dma_wait3A_541 = arith.constant 4 : i32
          %dma_wait3A_542 = arith.constant 0 : i32
          %dma_wait3A_543 = arith.constant 0 : i32
          %dma_wait3A_544 = tpu.memref_slice %arg7[%dma_wait3A_540, %dma_wait3A_542, %dma_wait3A_543] : memref<5x128x64xf32, #tpu.memory_space<vmem>> -> memref<1x128x64xf32, #tpu.memory_space<vmem>>
          %dma_wait3A_545 = tpu.memref_squeeze %dma_wait3A_544 : memref<1x128x64xf32, #tpu.memory_space<vmem>> -> memref<128x64xf32, #tpu.memory_space<vmem>>
          %dma_wait3A_546 = arith.constant 0 : i32
          %dma_wait3A_547 = tpu.memref_slice %arg5[%mul3A_2, %dma_wait3A_546] : memref<819200x64xf32, #tpu.memory_space<hbm>> -> memref<128x64xf32, #tpu.memory_space<hbm>>
          %dma_wait3A_548 = tpu.memref_slice %arg11[%dma_wait3A_541] : memref<5x!tpu.dma_semaphore, #tpu.memory_space<semaphore_mem>> -> memref<1x!tpu.dma_semaphore, #tpu.memory_space<semaphore_mem>>
          %dma_wait3A_549 = tpu.memref_squeeze %dma_wait3A_548 : memref<1x!tpu.dma_semaphore, #tpu.memory_space<semaphore_mem>> -> memref<!tpu.dma_semaphore, #tpu.memory_space<semaphore_mem>>
          %dma_wait3A_550 = arith.constant 0 : i32
          %dma_wait3A_551 = tpu.memref_slice %arg5[%mul3A_2, %dma_wait3A_550] : memref<819200x64xf32, #tpu.memory_space<hbm>> -> memref<128x64xf32, #tpu.memory_space<hbm>>
          %dma_wait3A_552 = arith.constant 0 : i32
          %dma_wait3A_553 = arith.constant 0 : i32
          %dma_wait3A_554 = tpu.memref_slice %arg7[%dma_wait3A_540, %dma_wait3A_552, %dma_wait3A_553] : memref<5x128x64xf32, #tpu.memory_space<vmem>> -> memref<1x128x64xf32, #tpu.memory_space<vmem>>
          %dma_wait3A_555 = tpu.memref_squeeze %dma_wait3A_554 : memref<1x128x64xf32, #tpu.memory_space<vmem>> -> memref<128x64xf32, #tpu.memory_space<vmem>>
          tpu.wait_dma2 semaphore(%dma_wait3A_549 : memref<!tpu.dma_semaphore, #tpu.memory_space<semaphore_mem>>) src(%dma_wait3A_555 : memref<128x64xf32, #tpu.memory_space<vmem>>) dst(%dma_wait3A_551 : memref<128x64xf32, #tpu.memory_space<hbm>>)
        } else {
        }
        %mul3A_509 = arith.constant 128 : i32
        %mul3A_510 = arith.muli %add3A_332, %mul3A_509 : i32
        %add3A_511 = arith.addi %mul3A_2, %mul3A_510 : i32
        %dma_start3A_512 = arith.constant 4 : i32
        %dma_start3A_513 = arith.constant 4 : i32
        %dma_start3A_514 = arith.constant 0 : i32
        %dma_start3A_515 = tpu.memref_slice %arg6[%dma_start3A_512, %dma_start3A_514] : memref<5x128xi32, #tpu.memory_space<vmem>> -> memref<1x128xi32, #tpu.memory_space<vmem>>
        %dma_start3A_516 = tpu.memref_squeeze %dma_start3A_515 : memref<1x128xi32, #tpu.memory_space<vmem>> -> memref<128xi32, #tpu.memory_space<vmem>>
        %dma_start3A_517 = tpu.memref_slice %arg3[%add3A_511] : memref<819200xi32, #tpu.memory_space<hbm>> -> memref<128xi32, #tpu.memory_space<hbm>>
        %dma_start3A_518 = tpu.memref_slice %arg8[%dma_start3A_513] : memref<5x!tpu.dma_semaphore, #tpu.memory_space<semaphore_mem>> -> memref<1x!tpu.dma_semaphore, #tpu.memory_space<semaphore_mem>>
        %dma_start3A_519 = tpu.memref_squeeze %dma_start3A_518 : memref<1x!tpu.dma_semaphore, #tpu.memory_space<semaphore_mem>> -> memref<!tpu.dma_semaphore, #tpu.memory_space<semaphore_mem>>
        %dma_start3A_520 = arith.constant 0 : i32
        %dma_start3A_521 = tpu.memref_slice %arg6[%dma_start3A_512, %dma_start3A_520] : memref<5x128xi32, #tpu.memory_space<vmem>> -> memref<1x128xi32, #tpu.memory_space<vmem>>
        %dma_start3A_522 = tpu.memref_squeeze %dma_start3A_521 : memref<1x128xi32, #tpu.memory_space<vmem>> -> memref<128xi32, #tpu.memory_space<vmem>>
        %dma_start3A_523 = tpu.memref_slice %arg3[%add3A_511] : memref<819200xi32, #tpu.memory_space<hbm>> -> memref<128xi32, #tpu.memory_space<hbm>>
        tpu.enqueue_dma source(%dma_start3A_523 : memref<128xi32, #tpu.memory_space<hbm>>) target(%dma_start3A_522 : memref<128xi32, #tpu.memory_space<vmem>>) target_semaphore(%dma_start3A_519 : memref<!tpu.dma_semaphore, #tpu.memory_space<semaphore_mem>>)
        %dma_start3A_524 = arith.constant 4 : i32
        %dma_start3A_525 = arith.constant 4 : i32
        %dma_start3A_526 = arith.constant 0 : i32
        %dma_start3A_527 = arith.constant 0 : i32
        %dma_start3A_528 = tpu.memref_slice %arg7[%dma_start3A_524, %dma_start3A_526, %dma_start3A_527] : memref<5x128x64xf32, #tpu.memory_space<vmem>> -> memref<1x128x64xf32, #tpu.memory_space<vmem>>
        %dma_start3A_529 = tpu.memref_squeeze %dma_start3A_528 : memref<1x128x64xf32, #tpu.memory_space<vmem>> -> memref<128x64xf32, #tpu.memory_space<vmem>>
        %dma_start3A_530 = arith.constant 0 : i32
        %dma_start3A_531 = tpu.memref_slice %arg2[%add3A_511, %dma_start3A_530] : memref<819200x64xf32, #tpu.memory_space<hbm>> -> memref<128x64xf32, #tpu.memory_space<hbm>>
        %dma_start3A_532 = tpu.memref_slice %arg9[%dma_start3A_525] : memref<5x!tpu.dma_semaphore, #tpu.memory_space<semaphore_mem>> -> memref<1x!tpu.dma_semaphore, #tpu.memory_space<semaphore_mem>>
        %dma_start3A_533 = tpu.memref_squeeze %dma_start3A_532 : memref<1x!tpu.dma_semaphore, #tpu.memory_space<semaphore_mem>> -> memref<!tpu.dma_semaphore, #tpu.memory_space<semaphore_mem>>
        %dma_start3A_534 = arith.constant 0 : i32
        %dma_start3A_535 = arith.constant 0 : i32
        %dma_start3A_536 = tpu.memref_slice %arg7[%dma_start3A_524, %dma_start3A_534, %dma_start3A_535] : memref<5x128x64xf32, #tpu.memory_space<vmem>> -> memref<1x128x64xf32, #tpu.memory_space<vmem>>
        %dma_start3A_537 = tpu.memref_squeeze %dma_start3A_536 : memref<1x128x64xf32, #tpu.memory_space<vmem>> -> memref<128x64xf32, #tpu.memory_space<vmem>>
        %dma_start3A_538 = arith.constant 0 : i32
        %dma_start3A_539 = tpu.memref_slice %arg2[%add3A_511, %dma_start3A_538] : memref<819200x64xf32, #tpu.memory_space<hbm>> -> memref<128x64xf32, #tpu.memory_space<hbm>>
        tpu.enqueue_dma source(%dma_start3A_539 : memref<128x64xf32, #tpu.memory_space<hbm>>) target(%dma_start3A_537 : memref<128x64xf32, #tpu.memory_space<vmem>>) target_semaphore(%dma_start3A_533 : memref<!tpu.dma_semaphore, #tpu.memory_space<semaphore_mem>>)
      } else {
      }
      %dma_wait3A_338 = arith.constant 2 : i32
      %dma_wait3A_339 = arith.constant 2 : i32
      %dma_wait3A_340 = arith.constant 0 : i32
      %dma_wait3A_341 = tpu.memref_slice %arg6[%dma_wait3A_338, %dma_wait3A_340] : memref<5x128xi32, #tpu.memory_space<vmem>> -> memref<1x128xi32, #tpu.memory_space<vmem>>
      %dma_wait3A_342 = tpu.memref_squeeze %dma_wait3A_341 : memref<1x128xi32, #tpu.memory_space<vmem>> -> memref<128xi32, #tpu.memory_space<vmem>>
      %dma_wait3A_343 = tpu.memref_slice %arg3[%mul3A_2] : memref<819200xi32, #tpu.memory_space<hbm>> -> memref<128xi32, #tpu.memory_space<hbm>>
      %dma_wait3A_344 = tpu.memref_slice %arg8[%dma_wait3A_339] : memref<5x!tpu.dma_semaphore, #tpu.memory_space<semaphore_mem>> -> memref<1x!tpu.dma_semaphore, #tpu.memory_space<semaphore_mem>>
      %dma_wait3A_345 = tpu.memref_squeeze %dma_wait3A_344 : memref<1x!tpu.dma_semaphore, #tpu.memory_space<semaphore_mem>> -> memref<!tpu.dma_semaphore, #tpu.memory_space<semaphore_mem>>
      %dma_wait3A_346 = arith.constant 0 : i32
      %dma_wait3A_347 = tpu.memref_slice %arg6[%dma_wait3A_338, %dma_wait3A_346] : memref<5x128xi32, #tpu.memory_space<vmem>> -> memref<1x128xi32, #tpu.memory_space<vmem>>
      %dma_wait3A_348 = tpu.memref_squeeze %dma_wait3A_347 : memref<1x128xi32, #tpu.memory_space<vmem>> -> memref<128xi32, #tpu.memory_space<vmem>>
      %dma_wait3A_349 = tpu.memref_slice %arg3[%mul3A_2] : memref<819200xi32, #tpu.memory_space<hbm>> -> memref<128xi32, #tpu.memory_space<hbm>>
      tpu.wait_dma2 semaphore(%dma_wait3A_345 : memref<!tpu.dma_semaphore, #tpu.memory_space<semaphore_mem>>) src(%dma_wait3A_349 : memref<128xi32, #tpu.memory_space<hbm>>) dst(%dma_wait3A_348 : memref<128xi32, #tpu.memory_space<vmem>>)
      %dma_wait3A_350 = arith.constant 2 : i32
      %dma_wait3A_351 = arith.constant 2 : i32
      %dma_wait3A_352 = arith.constant 0 : i32
      %dma_wait3A_353 = arith.constant 0 : i32
      %dma_wait3A_354 = tpu.memref_slice %arg7[%dma_wait3A_350, %dma_wait3A_352, %dma_wait3A_353] : memref<5x128x64xf32, #tpu.memory_space<vmem>> -> memref<1x128x64xf32, #tpu.memory_space<vmem>>
      %dma_wait3A_355 = tpu.memref_squeeze %dma_wait3A_354 : memref<1x128x64xf32, #tpu.memory_space<vmem>> -> memref<128x64xf32, #tpu.memory_space<vmem>>
      %dma_wait3A_356 = arith.constant 0 : i32
      %dma_wait3A_357 = tpu.memref_slice %arg2[%mul3A_2, %dma_wait3A_356] : memref<819200x64xf32, #tpu.memory_space<hbm>> -> memref<128x64xf32, #tpu.memory_space<hbm>>
      %dma_wait3A_358 = tpu.memref_slice %arg9[%dma_wait3A_351] : memref<5x!tpu.dma_semaphore, #tpu.memory_space<semaphore_mem>> -> memref<1x!tpu.dma_semaphore, #tpu.memory_space<semaphore_mem>>
      %dma_wait3A_359 = tpu.memref_squeeze %dma_wait3A_358 : memref<1x!tpu.dma_semaphore, #tpu.memory_space<semaphore_mem>> -> memref<!tpu.dma_semaphore, #tpu.memory_space<semaphore_mem>>
      %dma_wait3A_360 = arith.constant 0 : i32
      %dma_wait3A_361 = arith.constant 0 : i32
      %dma_wait3A_362 = tpu.memref_slice %arg7[%dma_wait3A_350, %dma_wait3A_360, %dma_wait3A_361] : memref<5x128x64xf32, #tpu.memory_space<vmem>> -> memref<1x128x64xf32, #tpu.memory_space<vmem>>
      %dma_wait3A_363 = tpu.memref_squeeze %dma_wait3A_362 : memref<1x128x64xf32, #tpu.memory_space<vmem>> -> memref<128x64xf32, #tpu.memory_space<vmem>>
      %dma_wait3A_364 = arith.constant 0 : i32
      %dma_wait3A_365 = tpu.memref_slice %arg2[%mul3A_2, %dma_wait3A_364] : memref<819200x64xf32, #tpu.memory_space<hbm>> -> memref<128x64xf32, #tpu.memory_space<hbm>>
      tpu.wait_dma2 semaphore(%dma_wait3A_359 : memref<!tpu.dma_semaphore, #tpu.memory_space<semaphore_mem>>) src(%dma_wait3A_365 : memref<128x64xf32, #tpu.memory_space<hbm>>) dst(%dma_wait3A_363 : memref<128x64xf32, #tpu.memory_space<vmem>>)
      %dma_start3A_366 = arith.constant 2 : i32
      %dma_start3A_367 = arith.constant 2 : i32
      %dma_start3A_368 = arith.constant 2 : i32
      %dma_start3A_369 = arith.constant 0 : i32
      %dma_start3A_370 = arith.constant 0 : i32
      %dma_start3A_371 = tpu.memref_slice %arg7[%dma_start3A_367, %dma_start3A_369, %dma_start3A_370] : memref<5x128x64xf32, #tpu.memory_space<vmem>> -> memref<1x128x64xf32, #tpu.memory_space<vmem>>
      %dma_start3A_372 = tpu.memref_squeeze %dma_start3A_371 : memref<1x128x64xf32, #tpu.memory_space<vmem>> -> memref<128x64xf32, #tpu.memory_space<vmem>>
      %dma_start3A_373 = arith.constant 0 : i32
      %dma_start3A_374 = tpu.memref_slice %arg6[%dma_start3A_366, %dma_start3A_373] : memref<5x128xi32, #tpu.memory_space<vmem>> -> memref<1x128xi32, #tpu.memory_space<vmem>>
      %dma_start3A_375 = tpu.memref_squeeze %dma_start3A_374 : memref<1x128xi32, #tpu.memory_space<vmem>> -> memref<128xi32, #tpu.memory_space<vmem>>
      %dma_start3A_376 = arith.constant 0 : i32
      %dma_start3A_377 = arith.constant 0 : i32
      %dma_start3A_378 = tpu.memref_slice %arg4[%dma_start3A_376, %dma_start3A_377] : memref<2048x64xf32, #tpu.memory_space<hbm>> -> memref<2048x64xf32, #tpu.memory_space<hbm>>
      %dma_start3A_379 = tpu.memref_slice %arg10[%dma_start3A_368] : memref<5x!tpu.dma_semaphore, #tpu.memory_space<semaphore_mem>> -> memref<1x!tpu.dma_semaphore, #tpu.memory_space<semaphore_mem>>
      %dma_start3A_380 = tpu.memref_squeeze %dma_start3A_379 : memref<1x!tpu.dma_semaphore, #tpu.memory_space<semaphore_mem>> -> memref<!tpu.dma_semaphore, #tpu.memory_space<semaphore_mem>>
      tpu.enqueue_indirect_dma source(%dma_start3A_378 : memref<2048x64xf32, #tpu.memory_space<hbm>>) target(%dma_start3A_372 : memref<128x64xf32, #tpu.memory_space<vmem>>) offsets(%dma_start3A_375 : memref<128xi32, #tpu.memory_space<vmem>>) semaphore(%dma_start3A_380 : memref<!tpu.dma_semaphore, #tpu.memory_space<semaphore_mem>>) {add = true}
      %ge3A_381 = arith.constant 2 : i32
      %ge3A_382 = arith.cmpi sge, %add3A_330, %ge3A_381 : i32
      %convert_element_type3A_383 = arith.extui %ge3A_382 : i1 to i32
      %cond3A_384 = arith.constant 0 : i32
      %cond3A_385 = arith.cmpi ne, %convert_element_type3A_383, %cond3A_384 : i32
      scf.if %cond3A_385 {
        %sub3A = arith.constant 2 : i32
        %sub3A_504 = arith.subi %add3A_330, %sub3A : i32
        %dma_wait3A_505 = arith.constant 0 : i32
        %dma_wait3A_506 = arith.constant 0 : i32
        %dma_wait3A_507 = arith.constant 0 : i32
        %dma_wait3A_508 = arith.constant 0 : i32
        %dma_wait3A_509 = arith.constant 0 : i32
        %dma_wait3A_510 = tpu.memref_slice %arg7[%dma_wait3A_506, %dma_wait3A_508, %dma_wait3A_509] : memref<5x128x64xf32, #tpu.memory_space<vmem>> -> memref<1x128x64xf32, #tpu.memory_space<vmem>>
        %dma_wait3A_511 = tpu.memref_squeeze %dma_wait3A_510 : memref<1x128x64xf32, #tpu.memory_space<vmem>> -> memref<128x64xf32, #tpu.memory_space<vmem>>
        %dma_wait3A_512 = arith.constant 0 : i32
        %dma_wait3A_513 = tpu.memref_slice %arg6[%dma_wait3A_505, %dma_wait3A_512] : memref<5x128xi32, #tpu.memory_space<vmem>> -> memref<1x128xi32, #tpu.memory_space<vmem>>
        %dma_wait3A_514 = tpu.memref_squeeze %dma_wait3A_513 : memref<1x128xi32, #tpu.memory_space<vmem>> -> memref<128xi32, #tpu.memory_space<vmem>>
        %dma_wait3A_515 = arith.constant 0 : i32
        %dma_wait3A_516 = arith.constant 0 : i32
        %dma_wait3A_517 = tpu.memref_slice %arg4[%dma_wait3A_515, %dma_wait3A_516] : memref<2048x64xf32, #tpu.memory_space<hbm>> -> memref<2048x64xf32, #tpu.memory_space<hbm>>
        %dma_wait3A_518 = tpu.memref_slice %arg10[%dma_wait3A_507] : memref<5x!tpu.dma_semaphore, #tpu.memory_space<semaphore_mem>> -> memref<1x!tpu.dma_semaphore, #tpu.memory_space<semaphore_mem>>
        %dma_wait3A_519 = tpu.memref_squeeze %dma_wait3A_518 : memref<1x!tpu.dma_semaphore, #tpu.memory_space<semaphore_mem>> -> memref<!tpu.dma_semaphore, #tpu.memory_space<semaphore_mem>>
        tpu.wait_indirect_dma semaphore(%dma_wait3A_519 : memref<!tpu.dma_semaphore, #tpu.memory_space<semaphore_mem>>) src(%dma_wait3A_517 : memref<2048x64xf32, #tpu.memory_space<hbm>>) dst(%dma_wait3A_511 : memref<128x64xf32, #tpu.memory_space<vmem>>)
        %mul3A_520 = arith.constant 128 : i32
        %mul3A_521 = arith.muli %sub3A_504, %mul3A_520 : i32
        %add3A_522 = arith.addi %mul3A_2, %mul3A_521 : i32
        %dma_start3A_523 = arith.constant 0 : i32
        %dma_start3A_524 = arith.constant 0 : i32
        %dma_start3A_525 = arith.constant 0 : i32
        %dma_start3A_526 = arith.constant 0 : i32
        %dma_start3A_527 = tpu.memref_slice %arg7[%dma_start3A_523, %dma_start3A_525, %dma_start3A_526] : memref<5x128x64xf32, #tpu.memory_space<vmem>> -> memref<1x128x64xf32, #tpu.memory_space<vmem>>
        %dma_start3A_528 = tpu.memref_squeeze %dma_start3A_527 : memref<1x128x64xf32, #tpu.memory_space<vmem>> -> memref<128x64xf32, #tpu.memory_space<vmem>>
        %dma_start3A_529 = arith.constant 0 : i32
        %dma_start3A_530 = tpu.memref_slice %arg5[%add3A_522, %dma_start3A_529] : memref<819200x64xf32, #tpu.memory_space<hbm>> -> memref<128x64xf32, #tpu.memory_space<hbm>>
        %dma_start3A_531 = tpu.memref_slice %arg11[%dma_start3A_524] : memref<5x!tpu.dma_semaphore, #tpu.memory_space<semaphore_mem>> -> memref<1x!tpu.dma_semaphore, #tpu.memory_space<semaphore_mem>>
        %dma_start3A_532 = tpu.memref_squeeze %dma_start3A_531 : memref<1x!tpu.dma_semaphore, #tpu.memory_space<semaphore_mem>> -> memref<!tpu.dma_semaphore, #tpu.memory_space<semaphore_mem>>
        %dma_start3A_533 = arith.constant 0 : i32
        %dma_start3A_534 = tpu.memref_slice %arg5[%add3A_522, %dma_start3A_533] : memref<819200x64xf32, #tpu.memory_space<hbm>> -> memref<128x64xf32, #tpu.memory_space<hbm>>
        %dma_start3A_535 = arith.constant 0 : i32
        %dma_start3A_536 = arith.constant 0 : i32
        %dma_start3A_537 = tpu.memref_slice %arg7[%dma_start3A_523, %dma_start3A_535, %dma_start3A_536] : memref<5x128x64xf32, #tpu.memory_space<vmem>> -> memref<1x128x64xf32, #tpu.memory_space<vmem>>
        %dma_start3A_538 = tpu.memref_squeeze %dma_start3A_537 : memref<1x128x64xf32, #tpu.memory_space<vmem>> -> memref<128x64xf32, #tpu.memory_space<vmem>>
        tpu.enqueue_dma source(%dma_start3A_538 : memref<128x64xf32, #tpu.memory_space<vmem>>) target(%dma_start3A_534 : memref<128x64xf32, #tpu.memory_space<hbm>>) target_semaphore(%dma_start3A_532 : memref<!tpu.dma_semaphore, #tpu.memory_space<semaphore_mem>>)
      } else {
      }
      %mul3A_386 = arith.constant 5 : i32
      %mul3A_387 = arith.muli %scan3A_212, %mul3A_386 : i32
      %add3A_388 = arith.constant 3 : i32
      %add3A_389 = arith.addi %mul3A_387, %add3A_388 : i32
      %add3A_390 = arith.constant 2 : i32
      %add3A_391 = arith.addi %add3A_389, %add3A_390 : i32
      %lt3A_392 = arith.constant 200 : i32
      %lt3A_393 = arith.cmpi slt, %add3A_391, %lt3A_392 : i32
      %convert_element_type3A_394 = arith.extui %lt3A_393 : i1 to i32
      %cond3A_395 = arith.constant 0 : i32
      %cond3A_396 = arith.cmpi ne, %convert_element_type3A_394, %cond3A_395 : i32
      scf.if %cond3A_396 {
        %ge3A_504 = arith.constant 3 : i32
        %ge3A_505 = arith.cmpi sge, %add3A_389, %ge3A_504 : i32
        %convert_element_type3A_506 = arith.extui %ge3A_505 : i1 to i32
        %cond3A_507 = arith.constant 0 : i32
        %cond3A_508 = arith.cmpi ne, %convert_element_type3A_506, %cond3A_507 : i32
        scf.if %cond3A_508 {
          %dma_wait3A_540 = arith.constant 0 : i32
          %dma_wait3A_541 = arith.constant 0 : i32
          %dma_wait3A_542 = arith.constant 0 : i32
          %dma_wait3A_543 = arith.constant 0 : i32
          %dma_wait3A_544 = tpu.memref_slice %arg7[%dma_wait3A_540, %dma_wait3A_542, %dma_wait3A_543] : memref<5x128x64xf32, #tpu.memory_space<vmem>> -> memref<1x128x64xf32, #tpu.memory_space<vmem>>
          %dma_wait3A_545 = tpu.memref_squeeze %dma_wait3A_544 : memref<1x128x64xf32, #tpu.memory_space<vmem>> -> memref<128x64xf32, #tpu.memory_space<vmem>>
          %dma_wait3A_546 = arith.constant 0 : i32
          %dma_wait3A_547 = tpu.memref_slice %arg5[%mul3A_2, %dma_wait3A_546] : memref<819200x64xf32, #tpu.memory_space<hbm>> -> memref<128x64xf32, #tpu.memory_space<hbm>>
          %dma_wait3A_548 = tpu.memref_slice %arg11[%dma_wait3A_541] : memref<5x!tpu.dma_semaphore, #tpu.memory_space<semaphore_mem>> -> memref<1x!tpu.dma_semaphore, #tpu.memory_space<semaphore_mem>>
          %dma_wait3A_549 = tpu.memref_squeeze %dma_wait3A_548 : memref<1x!tpu.dma_semaphore, #tpu.memory_space<semaphore_mem>> -> memref<!tpu.dma_semaphore, #tpu.memory_space<semaphore_mem>>
          %dma_wait3A_550 = arith.constant 0 : i32
          %dma_wait3A_551 = tpu.memref_slice %arg5[%mul3A_2, %dma_wait3A_550] : memref<819200x64xf32, #tpu.memory_space<hbm>> -> memref<128x64xf32, #tpu.memory_space<hbm>>
          %dma_wait3A_552 = arith.constant 0 : i32
          %dma_wait3A_553 = arith.constant 0 : i32
          %dma_wait3A_554 = tpu.memref_slice %arg7[%dma_wait3A_540, %dma_wait3A_552, %dma_wait3A_553] : memref<5x128x64xf32, #tpu.memory_space<vmem>> -> memref<1x128x64xf32, #tpu.memory_space<vmem>>
          %dma_wait3A_555 = tpu.memref_squeeze %dma_wait3A_554 : memref<1x128x64xf32, #tpu.memory_space<vmem>> -> memref<128x64xf32, #tpu.memory_space<vmem>>
          tpu.wait_dma2 semaphore(%dma_wait3A_549 : memref<!tpu.dma_semaphore, #tpu.memory_space<semaphore_mem>>) src(%dma_wait3A_555 : memref<128x64xf32, #tpu.memory_space<vmem>>) dst(%dma_wait3A_551 : memref<128x64xf32, #tpu.memory_space<hbm>>)
        } else {
        }
        %mul3A_509 = arith.constant 128 : i32
        %mul3A_510 = arith.muli %add3A_391, %mul3A_509 : i32
        %add3A_511 = arith.addi %mul3A_2, %mul3A_510 : i32
        %dma_start3A_512 = arith.constant 0 : i32
        %dma_start3A_513 = arith.constant 0 : i32
        %dma_start3A_514 = arith.constant 0 : i32
        %dma_start3A_515 = tpu.memref_slice %arg6[%dma_start3A_512, %dma_start3A_514] : memref<5x128xi32, #tpu.memory_space<vmem>> -> memref<1x128xi32, #tpu.memory_space<vmem>>
        %dma_start3A_516 = tpu.memref_squeeze %dma_start3A_515 : memref<1x128xi32, #tpu.memory_space<vmem>> -> memref<128xi32, #tpu.memory_space<vmem>>
        %dma_start3A_517 = tpu.memref_slice %arg3[%add3A_511] : memref<819200xi32, #tpu.memory_space<hbm>> -> memref<128xi32, #tpu.memory_space<hbm>>
        %dma_start3A_518 = tpu.memref_slice %arg8[%dma_start3A_513] : memref<5x!tpu.dma_semaphore, #tpu.memory_space<semaphore_mem>> -> memref<1x!tpu.dma_semaphore, #tpu.memory_space<semaphore_mem>>
        %dma_start3A_519 = tpu.memref_squeeze %dma_start3A_518 : memref<1x!tpu.dma_semaphore, #tpu.memory_space<semaphore_mem>> -> memref<!tpu.dma_semaphore, #tpu.memory_space<semaphore_mem>>
        %dma_start3A_520 = arith.constant 0 : i32
        %dma_start3A_521 = tpu.memref_slice %arg6[%dma_start3A_512, %dma_start3A_520] : memref<5x128xi32, #tpu.memory_space<vmem>> -> memref<1x128xi32, #tpu.memory_space<vmem>>
        %dma_start3A_522 = tpu.memref_squeeze %dma_start3A_521 : memref<1x128xi32, #tpu.memory_space<vmem>> -> memref<128xi32, #tpu.memory_space<vmem>>
        %dma_start3A_523 = tpu.memref_slice %arg3[%add3A_511] : memref<819200xi32, #tpu.memory_space<hbm>> -> memref<128xi32, #tpu.memory_space<hbm>>
        tpu.enqueue_dma source(%dma_start3A_523 : memref<128xi32, #tpu.memory_space<hbm>>) target(%dma_start3A_522 : memref<128xi32, #tpu.memory_space<vmem>>) target_semaphore(%dma_start3A_519 : memref<!tpu.dma_semaphore, #tpu.memory_space<semaphore_mem>>)
        %dma_start3A_524 = arith.constant 0 : i32
        %dma_start3A_525 = arith.constant 0 : i32
        %dma_start3A_526 = arith.constant 0 : i32
        %dma_start3A_527 = arith.constant 0 : i32
        %dma_start3A_528 = tpu.memref_slice %arg7[%dma_start3A_524, %dma_start3A_526, %dma_start3A_527] : memref<5x128x64xf32, #tpu.memory_space<vmem>> -> memref<1x128x64xf32, #tpu.memory_space<vmem>>
        %dma_start3A_529 = tpu.memref_squeeze %dma_start3A_528 : memref<1x128x64xf32, #tpu.memory_space<vmem>> -> memref<128x64xf32, #tpu.memory_space<vmem>>
        %dma_start3A_530 = arith.constant 0 : i32
        %dma_start3A_531 = tpu.memref_slice %arg2[%add3A_511, %dma_start3A_530] : memref<819200x64xf32, #tpu.memory_space<hbm>> -> memref<128x64xf32, #tpu.memory_space<hbm>>
        %dma_start3A_532 = tpu.memref_slice %arg9[%dma_start3A_525] : memref<5x!tpu.dma_semaphore, #tpu.memory_space<semaphore_mem>> -> memref<1x!tpu.dma_semaphore, #tpu.memory_space<semaphore_mem>>
        %dma_start3A_533 = tpu.memref_squeeze %dma_start3A_532 : memref<1x!tpu.dma_semaphore, #tpu.memory_space<semaphore_mem>> -> memref<!tpu.dma_semaphore, #tpu.memory_space<semaphore_mem>>
        %dma_start3A_534 = arith.constant 0 : i32
        %dma_start3A_535 = arith.constant 0 : i32
        %dma_start3A_536 = tpu.memref_slice %arg7[%dma_start3A_524, %dma_start3A_534, %dma_start3A_535] : memref<5x128x64xf32, #tpu.memory_space<vmem>> -> memref<1x128x64xf32, #tpu.memory_space<vmem>>
        %dma_start3A_537 = tpu.memref_squeeze %dma_start3A_536 : memref<1x128x64xf32, #tpu.memory_space<vmem>> -> memref<128x64xf32, #tpu.memory_space<vmem>>
        %dma_start3A_538 = arith.constant 0 : i32
        %dma_start3A_539 = tpu.memref_slice %arg2[%add3A_511, %dma_start3A_538] : memref<819200x64xf32, #tpu.memory_space<hbm>> -> memref<128x64xf32, #tpu.memory_space<hbm>>
        tpu.enqueue_dma source(%dma_start3A_539 : memref<128x64xf32, #tpu.memory_space<hbm>>) target(%dma_start3A_537 : memref<128x64xf32, #tpu.memory_space<vmem>>) target_semaphore(%dma_start3A_533 : memref<!tpu.dma_semaphore, #tpu.memory_space<semaphore_mem>>)
      } else {
      }
      %dma_wait3A_397 = arith.constant 3 : i32
      %dma_wait3A_398 = arith.constant 3 : i32
      %dma_wait3A_399 = arith.constant 0 : i32
      %dma_wait3A_400 = tpu.memref_slice %arg6[%dma_wait3A_397, %dma_wait3A_399] : memref<5x128xi32, #tpu.memory_space<vmem>> -> memref<1x128xi32, #tpu.memory_space<vmem>>
      %dma_wait3A_401 = tpu.memref_squeeze %dma_wait3A_400 : memref<1x128xi32, #tpu.memory_space<vmem>> -> memref<128xi32, #tpu.memory_space<vmem>>
      %dma_wait3A_402 = tpu.memref_slice %arg3[%mul3A_2] : memref<819200xi32, #tpu.memory_space<hbm>> -> memref<128xi32, #tpu.memory_space<hbm>>
      %dma_wait3A_403 = tpu.memref_slice %arg8[%dma_wait3A_398] : memref<5x!tpu.dma_semaphore, #tpu.memory_space<semaphore_mem>> -> memref<1x!tpu.dma_semaphore, #tpu.memory_space<semaphore_mem>>
      %dma_wait3A_404 = tpu.memref_squeeze %dma_wait3A_403 : memref<1x!tpu.dma_semaphore, #tpu.memory_space<semaphore_mem>> -> memref<!tpu.dma_semaphore, #tpu.memory_space<semaphore_mem>>
      %dma_wait3A_405 = arith.constant 0 : i32
      %dma_wait3A_406 = tpu.memref_slice %arg6[%dma_wait3A_397, %dma_wait3A_405] : memref<5x128xi32, #tpu.memory_space<vmem>> -> memref<1x128xi32, #tpu.memory_space<vmem>>
      %dma_wait3A_407 = tpu.memref_squeeze %dma_wait3A_406 : memref<1x128xi32, #tpu.memory_space<vmem>> -> memref<128xi32, #tpu.memory_space<vmem>>
      %dma_wait3A_408 = tpu.memref_slice %arg3[%mul3A_2] : memref<819200xi32, #tpu.memory_space<hbm>> -> memref<128xi32, #tpu.memory_space<hbm>>
      tpu.wait_dma2 semaphore(%dma_wait3A_404 : memref<!tpu.dma_semaphore, #tpu.memory_space<semaphore_mem>>) src(%dma_wait3A_408 : memref<128xi32, #tpu.memory_space<hbm>>) dst(%dma_wait3A_407 : memref<128xi32, #tpu.memory_space<vmem>>)
      %dma_wait3A_409 = arith.constant 3 : i32
      %dma_wait3A_410 = arith.constant 3 : i32
      %dma_wait3A_411 = arith.constant 0 : i32
      %dma_wait3A_412 = arith.constant 0 : i32
      %dma_wait3A_413 = tpu.memref_slice %arg7[%dma_wait3A_409, %dma_wait3A_411, %dma_wait3A_412] : memref<5x128x64xf32, #tpu.memory_space<vmem>> -> memref<1x128x64xf32, #tpu.memory_space<vmem>>
      %dma_wait3A_414 = tpu.memref_squeeze %dma_wait3A_413 : memref<1x128x64xf32, #tpu.memory_space<vmem>> -> memref<128x64xf32, #tpu.memory_space<vmem>>
      %dma_wait3A_415 = arith.constant 0 : i32
      %dma_wait3A_416 = tpu.memref_slice %arg2[%mul3A_2, %dma_wait3A_415] : memref<819200x64xf32, #tpu.memory_space<hbm>> -> memref<128x64xf32, #tpu.memory_space<hbm>>
      %dma_wait3A_417 = tpu.memref_slice %arg9[%dma_wait3A_410] : memref<5x!tpu.dma_semaphore, #tpu.memory_space<semaphore_mem>> -> memref<1x!tpu.dma_semaphore, #tpu.memory_space<semaphore_mem>>
      %dma_wait3A_418 = tpu.memref_squeeze %dma_wait3A_417 : memref<1x!tpu.dma_semaphore, #tpu.memory_space<semaphore_mem>> -> memref<!tpu.dma_semaphore, #tpu.memory_space<semaphore_mem>>
      %dma_wait3A_419 = arith.constant 0 : i32
      %dma_wait3A_420 = arith.constant 0 : i32
      %dma_wait3A_421 = tpu.memref_slice %arg7[%dma_wait3A_409, %dma_wait3A_419, %dma_wait3A_420] : memref<5x128x64xf32, #tpu.memory_space<vmem>> -> memref<1x128x64xf32, #tpu.memory_space<vmem>>
      %dma_wait3A_422 = tpu.memref_squeeze %dma_wait3A_421 : memref<1x128x64xf32, #tpu.memory_space<vmem>> -> memref<128x64xf32, #tpu.memory_space<vmem>>
      %dma_wait3A_423 = arith.constant 0 : i32
      %dma_wait3A_424 = tpu.memref_slice %arg2[%mul3A_2, %dma_wait3A_423] : memref<819200x64xf32, #tpu.memory_space<hbm>> -> memref<128x64xf32, #tpu.memory_space<hbm>>
      tpu.wait_dma2 semaphore(%dma_wait3A_418 : memref<!tpu.dma_semaphore, #tpu.memory_space<semaphore_mem>>) src(%dma_wait3A_424 : memref<128x64xf32, #tpu.memory_space<hbm>>) dst(%dma_wait3A_422 : memref<128x64xf32, #tpu.memory_space<vmem>>)
      %dma_start3A_425 = arith.constant 3 : i32
      %dma_start3A_426 = arith.constant 3 : i32
      %dma_start3A_427 = arith.constant 3 : i32
      %dma_start3A_428 = arith.constant 0 : i32
      %dma_start3A_429 = arith.constant 0 : i32
      %dma_start3A_430 = tpu.memref_slice %arg7[%dma_start3A_426, %dma_start3A_428, %dma_start3A_429] : memref<5x128x64xf32, #tpu.memory_space<vmem>> -> memref<1x128x64xf32, #tpu.memory_space<vmem>>
      %dma_start3A_431 = tpu.memref_squeeze %dma_start3A_430 : memref<1x128x64xf32, #tpu.memory_space<vmem>> -> memref<128x64xf32, #tpu.memory_space<vmem>>
      %dma_start3A_432 = arith.constant 0 : i32
      %dma_start3A_433 = tpu.memref_slice %arg6[%dma_start3A_425, %dma_start3A_432] : memref<5x128xi32, #tpu.memory_space<vmem>> -> memref<1x128xi32, #tpu.memory_space<vmem>>
      %dma_start3A_434 = tpu.memref_squeeze %dma_start3A_433 : memref<1x128xi32, #tpu.memory_space<vmem>> -> memref<128xi32, #tpu.memory_space<vmem>>
      %dma_start3A_435 = arith.constant 0 : i32
      %dma_start3A_436 = arith.constant 0 : i32
      %dma_start3A_437 = tpu.memref_slice %arg4[%dma_start3A_435, %dma_start3A_436] : memref<2048x64xf32, #tpu.memory_space<hbm>> -> memref<2048x64xf32, #tpu.memory_space<hbm>>
      %dma_start3A_438 = tpu.memref_slice %arg10[%dma_start3A_427] : memref<5x!tpu.dma_semaphore, #tpu.memory_space<semaphore_mem>> -> memref<1x!tpu.dma_semaphore, #tpu.memory_space<semaphore_mem>>
      %dma_start3A_439 = tpu.memref_squeeze %dma_start3A_438 : memref<1x!tpu.dma_semaphore, #tpu.memory_space<semaphore_mem>> -> memref<!tpu.dma_semaphore, #tpu.memory_space<semaphore_mem>>
      tpu.enqueue_indirect_dma source(%dma_start3A_437 : memref<2048x64xf32, #tpu.memory_space<hbm>>) target(%dma_start3A_431 : memref<128x64xf32, #tpu.memory_space<vmem>>) offsets(%dma_start3A_434 : memref<128xi32, #tpu.memory_space<vmem>>) semaphore(%dma_start3A_439 : memref<!tpu.dma_semaphore, #tpu.memory_space<semaphore_mem>>) {add = true}
      %ge3A_440 = arith.constant 2 : i32
      %ge3A_441 = arith.cmpi sge, %add3A_389, %ge3A_440 : i32
      %convert_element_type3A_442 = arith.extui %ge3A_441 : i1 to i32
      %cond3A_443 = arith.constant 0 : i32
      %cond3A_444 = arith.cmpi ne, %convert_element_type3A_442, %cond3A_443 : i32
      scf.if %cond3A_444 {
        %sub3A = arith.constant 2 : i32
        %sub3A_504 = arith.subi %add3A_389, %sub3A : i32
        %dma_wait3A_505 = arith.constant 1 : i32
        %dma_wait3A_506 = arith.constant 1 : i32
        %dma_wait3A_507 = arith.constant 1 : i32
        %dma_wait3A_508 = arith.constant 0 : i32
        %dma_wait3A_509 = arith.constant 0 : i32
        %dma_wait3A_510 = tpu.memref_slice %arg7[%dma_wait3A_506, %dma_wait3A_508, %dma_wait3A_509] : memref<5x128x64xf32, #tpu.memory_space<vmem>> -> memref<1x128x64xf32, #tpu.memory_space<vmem>>
        %dma_wait3A_511 = tpu.memref_squeeze %dma_wait3A_510 : memref<1x128x64xf32, #tpu.memory_space<vmem>> -> memref<128x64xf32, #tpu.memory_space<vmem>>
        %dma_wait3A_512 = arith.constant 0 : i32
        %dma_wait3A_513 = tpu.memref_slice %arg6[%dma_wait3A_505, %dma_wait3A_512] : memref<5x128xi32, #tpu.memory_space<vmem>> -> memref<1x128xi32, #tpu.memory_space<vmem>>
        %dma_wait3A_514 = tpu.memref_squeeze %dma_wait3A_513 : memref<1x128xi32, #tpu.memory_space<vmem>> -> memref<128xi32, #tpu.memory_space<vmem>>
        %dma_wait3A_515 = arith.constant 0 : i32
        %dma_wait3A_516 = arith.constant 0 : i32
        %dma_wait3A_517 = tpu.memref_slice %arg4[%dma_wait3A_515, %dma_wait3A_516] : memref<2048x64xf32, #tpu.memory_space<hbm>> -> memref<2048x64xf32, #tpu.memory_space<hbm>>
        %dma_wait3A_518 = tpu.memref_slice %arg10[%dma_wait3A_507] : memref<5x!tpu.dma_semaphore, #tpu.memory_space<semaphore_mem>> -> memref<1x!tpu.dma_semaphore, #tpu.memory_space<semaphore_mem>>
        %dma_wait3A_519 = tpu.memref_squeeze %dma_wait3A_518 : memref<1x!tpu.dma_semaphore, #tpu.memory_space<semaphore_mem>> -> memref<!tpu.dma_semaphore, #tpu.memory_space<semaphore_mem>>
        tpu.wait_indirect_dma semaphore(%dma_wait3A_519 : memref<!tpu.dma_semaphore, #tpu.memory_space<semaphore_mem>>) src(%dma_wait3A_517 : memref<2048x64xf32, #tpu.memory_space<hbm>>) dst(%dma_wait3A_511 : memref<128x64xf32, #tpu.memory_space<vmem>>)
        %mul3A_520 = arith.constant 128 : i32
        %mul3A_521 = arith.muli %sub3A_504, %mul3A_520 : i32
        %add3A_522 = arith.addi %mul3A_2, %mul3A_521 : i32
        %dma_start3A_523 = arith.constant 1 : i32
        %dma_start3A_524 = arith.constant 1 : i32
        %dma_start3A_525 = arith.constant 0 : i32
        %dma_start3A_526 = arith.constant 0 : i32
        %dma_start3A_527 = tpu.memref_slice %arg7[%dma_start3A_523, %dma_start3A_525, %dma_start3A_526] : memref<5x128x64xf32, #tpu.memory_space<vmem>> -> memref<1x128x64xf32, #tpu.memory_space<vmem>>
        %dma_start3A_528 = tpu.memref_squeeze %dma_start3A_527 : memref<1x128x64xf32, #tpu.memory_space<vmem>> -> memref<128x64xf32, #tpu.memory_space<vmem>>
        %dma_start3A_529 = arith.constant 0 : i32
        %dma_start3A_530 = tpu.memref_slice %arg5[%add3A_522, %dma_start3A_529] : memref<819200x64xf32, #tpu.memory_space<hbm>> -> memref<128x64xf32, #tpu.memory_space<hbm>>
        %dma_start3A_531 = tpu.memref_slice %arg11[%dma_start3A_524] : memref<5x!tpu.dma_semaphore, #tpu.memory_space<semaphore_mem>> -> memref<1x!tpu.dma_semaphore, #tpu.memory_space<semaphore_mem>>
        %dma_start3A_532 = tpu.memref_squeeze %dma_start3A_531 : memref<1x!tpu.dma_semaphore, #tpu.memory_space<semaphore_mem>> -> memref<!tpu.dma_semaphore, #tpu.memory_space<semaphore_mem>>
        %dma_start3A_533 = arith.constant 0 : i32
        %dma_start3A_534 = tpu.memref_slice %arg5[%add3A_522, %dma_start3A_533] : memref<819200x64xf32, #tpu.memory_space<hbm>> -> memref<128x64xf32, #tpu.memory_space<hbm>>
        %dma_start3A_535 = arith.constant 0 : i32
        %dma_start3A_536 = arith.constant 0 : i32
        %dma_start3A_537 = tpu.memref_slice %arg7[%dma_start3A_523, %dma_start3A_535, %dma_start3A_536] : memref<5x128x64xf32, #tpu.memory_space<vmem>> -> memref<1x128x64xf32, #tpu.memory_space<vmem>>
        %dma_start3A_538 = tpu.memref_squeeze %dma_start3A_537 : memref<1x128x64xf32, #tpu.memory_space<vmem>> -> memref<128x64xf32, #tpu.memory_space<vmem>>
        tpu.enqueue_dma source(%dma_start3A_538 : memref<128x64xf32, #tpu.memory_space<vmem>>) target(%dma_start3A_534 : memref<128x64xf32, #tpu.memory_space<hbm>>) target_semaphore(%dma_start3A_532 : memref<!tpu.dma_semaphore, #tpu.memory_space<semaphore_mem>>)
      } else {
      }
      %mul3A_445 = arith.constant 5 : i32
      %mul3A_446 = arith.muli %scan3A_212, %mul3A_445 : i32
      %add3A_447 = arith.constant 4 : i32
      %add3A_448 = arith.addi %mul3A_446, %add3A_447 : i32
      %add3A_449 = arith.constant 2 : i32
      %add3A_450 = arith.addi %add3A_448, %add3A_449 : i32
      %lt3A_451 = arith.constant 200 : i32
      %lt3A_452 = arith.cmpi slt, %add3A_450, %lt3A_451 : i32
      %convert_element_type3A_453 = arith.extui %lt3A_452 : i1 to i32
      %cond3A_454 = arith.constant 0 : i32
      %cond3A_455 = arith.cmpi ne, %convert_element_type3A_453, %cond3A_454 : i32
      scf.if %cond3A_455 {
        %ge3A_504 = arith.constant 3 : i32
        %ge3A_505 = arith.cmpi sge, %add3A_448, %ge3A_504 : i32
        %convert_element_type3A_506 = arith.extui %ge3A_505 : i1 to i32
        %cond3A_507 = arith.constant 0 : i32
        %cond3A_508 = arith.cmpi ne, %convert_element_type3A_506, %cond3A_507 : i32
        scf.if %cond3A_508 {
          %dma_wait3A_540 = arith.constant 1 : i32
          %dma_wait3A_541 = arith.constant 1 : i32
          %dma_wait3A_542 = arith.constant 0 : i32
          %dma_wait3A_543 = arith.constant 0 : i32
          %dma_wait3A_544 = tpu.memref_slice %arg7[%dma_wait3A_540, %dma_wait3A_542, %dma_wait3A_543] : memref<5x128x64xf32, #tpu.memory_space<vmem>> -> memref<1x128x64xf32, #tpu.memory_space<vmem>>
          %dma_wait3A_545 = tpu.memref_squeeze %dma_wait3A_544 : memref<1x128x64xf32, #tpu.memory_space<vmem>> -> memref<128x64xf32, #tpu.memory_space<vmem>>
          %dma_wait3A_546 = arith.constant 0 : i32
          %dma_wait3A_547 = tpu.memref_slice %arg5[%mul3A_2, %dma_wait3A_546] : memref<819200x64xf32, #tpu.memory_space<hbm>> -> memref<128x64xf32, #tpu.memory_space<hbm>>
          %dma_wait3A_548 = tpu.memref_slice %arg11[%dma_wait3A_541] : memref<5x!tpu.dma_semaphore, #tpu.memory_space<semaphore_mem>> -> memref<1x!tpu.dma_semaphore, #tpu.memory_space<semaphore_mem>>
          %dma_wait3A_549 = tpu.memref_squeeze %dma_wait3A_548 : memref<1x!tpu.dma_semaphore, #tpu.memory_space<semaphore_mem>> -> memref<!tpu.dma_semaphore, #tpu.memory_space<semaphore_mem>>
          %dma_wait3A_550 = arith.constant 0 : i32
          %dma_wait3A_551 = tpu.memref_slice %arg5[%mul3A_2, %dma_wait3A_550] : memref<819200x64xf32, #tpu.memory_space<hbm>> -> memref<128x64xf32, #tpu.memory_space<hbm>>
          %dma_wait3A_552 = arith.constant 0 : i32
          %dma_wait3A_553 = arith.constant 0 : i32
          %dma_wait3A_554 = tpu.memref_slice %arg7[%dma_wait3A_540, %dma_wait3A_552, %dma_wait3A_553] : memref<5x128x64xf32, #tpu.memory_space<vmem>> -> memref<1x128x64xf32, #tpu.memory_space<vmem>>
          %dma_wait3A_555 = tpu.memref_squeeze %dma_wait3A_554 : memref<1x128x64xf32, #tpu.memory_space<vmem>> -> memref<128x64xf32, #tpu.memory_space<vmem>>
          tpu.wait_dma2 semaphore(%dma_wait3A_549 : memref<!tpu.dma_semaphore, #tpu.memory_space<semaphore_mem>>) src(%dma_wait3A_555 : memref<128x64xf32, #tpu.memory_space<vmem>>) dst(%dma_wait3A_551 : memref<128x64xf32, #tpu.memory_space<hbm>>)
        } else {
        }
        %mul3A_509 = arith.constant 128 : i32
        %mul3A_510 = arith.muli %add3A_450, %mul3A_509 : i32
        %add3A_511 = arith.addi %mul3A_2, %mul3A_510 : i32
        %dma_start3A_512 = arith.constant 1 : i32
        %dma_start3A_513 = arith.constant 1 : i32
        %dma_start3A_514 = arith.constant 0 : i32
        %dma_start3A_515 = tpu.memref_slice %arg6[%dma_start3A_512, %dma_start3A_514] : memref<5x128xi32, #tpu.memory_space<vmem>> -> memref<1x128xi32, #tpu.memory_space<vmem>>
        %dma_start3A_516 = tpu.memref_squeeze %dma_start3A_515 : memref<1x128xi32, #tpu.memory_space<vmem>> -> memref<128xi32, #tpu.memory_space<vmem>>
        %dma_start3A_517 = tpu.memref_slice %arg3[%add3A_511] : memref<819200xi32, #tpu.memory_space<hbm>> -> memref<128xi32, #tpu.memory_space<hbm>>
        %dma_start3A_518 = tpu.memref_slice %arg8[%dma_start3A_513] : memref<5x!tpu.dma_semaphore, #tpu.memory_space<semaphore_mem>> -> memref<1x!tpu.dma_semaphore, #tpu.memory_space<semaphore_mem>>
        %dma_start3A_519 = tpu.memref_squeeze %dma_start3A_518 : memref<1x!tpu.dma_semaphore, #tpu.memory_space<semaphore_mem>> -> memref<!tpu.dma_semaphore, #tpu.memory_space<semaphore_mem>>
        %dma_start3A_520 = arith.constant 0 : i32
        %dma_start3A_521 = tpu.memref_slice %arg6[%dma_start3A_512, %dma_start3A_520] : memref<5x128xi32, #tpu.memory_space<vmem>> -> memref<1x128xi32, #tpu.memory_space<vmem>>
        %dma_start3A_522 = tpu.memref_squeeze %dma_start3A_521 : memref<1x128xi32, #tpu.memory_space<vmem>> -> memref<128xi32, #tpu.memory_space<vmem>>
        %dma_start3A_523 = tpu.memref_slice %arg3[%add3A_511] : memref<819200xi32, #tpu.memory_space<hbm>> -> memref<128xi32, #tpu.memory_space<hbm>>
        tpu.enqueue_dma source(%dma_start3A_523 : memref<128xi32, #tpu.memory_space<hbm>>) target(%dma_start3A_522 : memref<128xi32, #tpu.memory_space<vmem>>) target_semaphore(%dma_start3A_519 : memref<!tpu.dma_semaphore, #tpu.memory_space<semaphore_mem>>)
        %dma_start3A_524 = arith.constant 1 : i32
        %dma_start3A_525 = arith.constant 1 : i32
        %dma_start3A_526 = arith.constant 0 : i32
        %dma_start3A_527 = arith.constant 0 : i32
        %dma_start3A_528 = tpu.memref_slice %arg7[%dma_start3A_524, %dma_start3A_526, %dma_start3A_527] : memref<5x128x64xf32, #tpu.memory_space<vmem>> -> memref<1x128x64xf32, #tpu.memory_space<vmem>>
        %dma_start3A_529 = tpu.memref_squeeze %dma_start3A_528 : memref<1x128x64xf32, #tpu.memory_space<vmem>> -> memref<128x64xf32, #tpu.memory_space<vmem>>
        %dma_start3A_530 = arith.constant 0 : i32
        %dma_start3A_531 = tpu.memref_slice %arg2[%add3A_511, %dma_start3A_530] : memref<819200x64xf32, #tpu.memory_space<hbm>> -> memref<128x64xf32, #tpu.memory_space<hbm>>
        %dma_start3A_532 = tpu.memref_slice %arg9[%dma_start3A_525] : memref<5x!tpu.dma_semaphore, #tpu.memory_space<semaphore_mem>> -> memref<1x!tpu.dma_semaphore, #tpu.memory_space<semaphore_mem>>
        %dma_start3A_533 = tpu.memref_squeeze %dma_start3A_532 : memref<1x!tpu.dma_semaphore, #tpu.memory_space<semaphore_mem>> -> memref<!tpu.dma_semaphore, #tpu.memory_space<semaphore_mem>>
        %dma_start3A_534 = arith.constant 0 : i32
        %dma_start3A_535 = arith.constant 0 : i32
        %dma_start3A_536 = tpu.memref_slice %arg7[%dma_start3A_524, %dma_start3A_534, %dma_start3A_535] : memref<5x128x64xf32, #tpu.memory_space<vmem>> -> memref<1x128x64xf32, #tpu.memory_space<vmem>>
        %dma_start3A_537 = tpu.memref_squeeze %dma_start3A_536 : memref<1x128x64xf32, #tpu.memory_space<vmem>> -> memref<128x64xf32, #tpu.memory_space<vmem>>
        %dma_start3A_538 = arith.constant 0 : i32
        %dma_start3A_539 = tpu.memref_slice %arg2[%add3A_511, %dma_start3A_538] : memref<819200x64xf32, #tpu.memory_space<hbm>> -> memref<128x64xf32, #tpu.memory_space<hbm>>
        tpu.enqueue_dma source(%dma_start3A_539 : memref<128x64xf32, #tpu.memory_space<hbm>>) target(%dma_start3A_537 : memref<128x64xf32, #tpu.memory_space<vmem>>) target_semaphore(%dma_start3A_533 : memref<!tpu.dma_semaphore, #tpu.memory_space<semaphore_mem>>)
      } else {
      }
      %dma_wait3A_456 = arith.constant 4 : i32
      %dma_wait3A_457 = arith.constant 4 : i32
      %dma_wait3A_458 = arith.constant 0 : i32
      %dma_wait3A_459 = tpu.memref_slice %arg6[%dma_wait3A_456, %dma_wait3A_458] : memref<5x128xi32, #tpu.memory_space<vmem>> -> memref<1x128xi32, #tpu.memory_space<vmem>>
      %dma_wait3A_460 = tpu.memref_squeeze %dma_wait3A_459 : memref<1x128xi32, #tpu.memory_space<vmem>> -> memref<128xi32, #tpu.memory_space<vmem>>
      %dma_wait3A_461 = tpu.memref_slice %arg3[%mul3A_2] : memref<819200xi32, #tpu.memory_space<hbm>> -> memref<128xi32, #tpu.memory_space<hbm>>
      %dma_wait3A_462 = tpu.memref_slice %arg8[%dma_wait3A_457] : memref<5x!tpu.dma_semaphore, #tpu.memory_space<semaphore_mem>> -> memref<1x!tpu.dma_semaphore, #tpu.memory_space<semaphore_mem>>
      %dma_wait3A_463 = tpu.memref_squeeze %dma_wait3A_462 : memref<1x!tpu.dma_semaphore, #tpu.memory_space<semaphore_mem>> -> memref<!tpu.dma_semaphore, #tpu.memory_space<semaphore_mem>>
      %dma_wait3A_464 = arith.constant 0 : i32
      %dma_wait3A_465 = tpu.memref_slice %arg6[%dma_wait3A_456, %dma_wait3A_464] : memref<5x128xi32, #tpu.memory_space<vmem>> -> memref<1x128xi32, #tpu.memory_space<vmem>>
      %dma_wait3A_466 = tpu.memref_squeeze %dma_wait3A_465 : memref<1x128xi32, #tpu.memory_space<vmem>> -> memref<128xi32, #tpu.memory_space<vmem>>
      %dma_wait3A_467 = tpu.memref_slice %arg3[%mul3A_2] : memref<819200xi32, #tpu.memory_space<hbm>> -> memref<128xi32, #tpu.memory_space<hbm>>
      tpu.wait_dma2 semaphore(%dma_wait3A_463 : memref<!tpu.dma_semaphore, #tpu.memory_space<semaphore_mem>>) src(%dma_wait3A_467 : memref<128xi32, #tpu.memory_space<hbm>>) dst(%dma_wait3A_466 : memref<128xi32, #tpu.memory_space<vmem>>)
      %dma_wait3A_468 = arith.constant 4 : i32
      %dma_wait3A_469 = arith.constant 4 : i32
      %dma_wait3A_470 = arith.constant 0 : i32
      %dma_wait3A_471 = arith.constant 0 : i32
      %dma_wait3A_472 = tpu.memref_slice %arg7[%dma_wait3A_468, %dma_wait3A_470, %dma_wait3A_471] : memref<5x128x64xf32, #tpu.memory_space<vmem>> -> memref<1x128x64xf32, #tpu.memory_space<vmem>>
      %dma_wait3A_473 = tpu.memref_squeeze %dma_wait3A_472 : memref<1x128x64xf32, #tpu.memory_space<vmem>> -> memref<128x64xf32, #tpu.memory_space<vmem>>
      %dma_wait3A_474 = arith.constant 0 : i32
      %dma_wait3A_475 = tpu.memref_slice %arg2[%mul3A_2, %dma_wait3A_474] : memref<819200x64xf32, #tpu.memory_space<hbm>> -> memref<128x64xf32, #tpu.memory_space<hbm>>
      %dma_wait3A_476 = tpu.memref_slice %arg9[%dma_wait3A_469] : memref<5x!tpu.dma_semaphore, #tpu.memory_space<semaphore_mem>> -> memref<1x!tpu.dma_semaphore, #tpu.memory_space<semaphore_mem>>
      %dma_wait3A_477 = tpu.memref_squeeze %dma_wait3A_476 : memref<1x!tpu.dma_semaphore, #tpu.memory_space<semaphore_mem>> -> memref<!tpu.dma_semaphore, #tpu.memory_space<semaphore_mem>>
      %dma_wait3A_478 = arith.constant 0 : i32
      %dma_wait3A_479 = arith.constant 0 : i32
      %dma_wait3A_480 = tpu.memref_slice %arg7[%dma_wait3A_468, %dma_wait3A_478, %dma_wait3A_479] : memref<5x128x64xf32, #tpu.memory_space<vmem>> -> memref<1x128x64xf32, #tpu.memory_space<vmem>>
      %dma_wait3A_481 = tpu.memref_squeeze %dma_wait3A_480 : memref<1x128x64xf32, #tpu.memory_space<vmem>> -> memref<128x64xf32, #tpu.memory_space<vmem>>
      %dma_wait3A_482 = arith.constant 0 : i32
      %dma_wait3A_483 = tpu.memref_slice %arg2[%mul3A_2, %dma_wait3A_482] : memref<819200x64xf32, #tpu.memory_space<hbm>> -> memref<128x64xf32, #tpu.memory_space<hbm>>
      tpu.wait_dma2 semaphore(%dma_wait3A_477 : memref<!tpu.dma_semaphore, #tpu.memory_space<semaphore_mem>>) src(%dma_wait3A_483 : memref<128x64xf32, #tpu.memory_space<hbm>>) dst(%dma_wait3A_481 : memref<128x64xf32, #tpu.memory_space<vmem>>)
      %dma_start3A_484 = arith.constant 4 : i32
      %dma_start3A_485 = arith.constant 4 : i32
      %dma_start3A_486 = arith.constant 4 : i32
      %dma_start3A_487 = arith.constant 0 : i32
      %dma_start3A_488 = arith.constant 0 : i32
      %dma_start3A_489 = tpu.memref_slice %arg7[%dma_start3A_485, %dma_start3A_487, %dma_start3A_488] : memref<5x128x64xf32, #tpu.memory_space<vmem>> -> memref<1x128x64xf32, #tpu.memory_space<vmem>>
      %dma_start3A_490 = tpu.memref_squeeze %dma_start3A_489 : memref<1x128x64xf32, #tpu.memory_space<vmem>> -> memref<128x64xf32, #tpu.memory_space<vmem>>
      %dma_start3A_491 = arith.constant 0 : i32
      %dma_start3A_492 = tpu.memref_slice %arg6[%dma_start3A_484, %dma_start3A_491] : memref<5x128xi32, #tpu.memory_space<vmem>> -> memref<1x128xi32, #tpu.memory_space<vmem>>
      %dma_start3A_493 = tpu.memref_squeeze %dma_start3A_492 : memref<1x128xi32, #tpu.memory_space<vmem>> -> memref<128xi32, #tpu.memory_space<vmem>>
      %dma_start3A_494 = arith.constant 0 : i32
      %dma_start3A_495 = arith.constant 0 : i32
      %dma_start3A_496 = tpu.memref_slice %arg4[%dma_start3A_494, %dma_start3A_495] : memref<2048x64xf32, #tpu.memory_space<hbm>> -> memref<2048x64xf32, #tpu.memory_space<hbm>>
      %dma_start3A_497 = tpu.memref_slice %arg10[%dma_start3A_486] : memref<5x!tpu.dma_semaphore, #tpu.memory_space<semaphore_mem>> -> memref<1x!tpu.dma_semaphore, #tpu.memory_space<semaphore_mem>>
      %dma_start3A_498 = tpu.memref_squeeze %dma_start3A_497 : memref<1x!tpu.dma_semaphore, #tpu.memory_space<semaphore_mem>> -> memref<!tpu.dma_semaphore, #tpu.memory_space<semaphore_mem>>
      tpu.enqueue_indirect_dma source(%dma_start3A_496 : memref<2048x64xf32, #tpu.memory_space<hbm>>) target(%dma_start3A_490 : memref<128x64xf32, #tpu.memory_space<vmem>>) offsets(%dma_start3A_493 : memref<128xi32, #tpu.memory_space<vmem>>) semaphore(%dma_start3A_498 : memref<!tpu.dma_semaphore, #tpu.memory_space<semaphore_mem>>) {add = true}
      %ge3A_499 = arith.constant 2 : i32
      %ge3A_500 = arith.cmpi sge, %add3A_448, %ge3A_499 : i32
      %convert_element_type3A_501 = arith.extui %ge3A_500 : i1 to i32
      %cond3A_502 = arith.constant 0 : i32
      %cond3A_503 = arith.cmpi ne, %convert_element_type3A_501, %cond3A_502 : i32
      scf.if %cond3A_503 {
        %sub3A = arith.constant 2 : i32
        %sub3A_504 = arith.subi %add3A_448, %sub3A : i32
        %dma_wait3A_505 = arith.constant 2 : i32
        %dma_wait3A_506 = arith.constant 2 : i32
        %dma_wait3A_507 = arith.constant 2 : i32
        %dma_wait3A_508 = arith.constant 0 : i32
        %dma_wait3A_509 = arith.constant 0 : i32
        %dma_wait3A_510 = tpu.memref_slice %arg7[%dma_wait3A_506, %dma_wait3A_508, %dma_wait3A_509] : memref<5x128x64xf32, #tpu.memory_space<vmem>> -> memref<1x128x64xf32, #tpu.memory_space<vmem>>
        %dma_wait3A_511 = tpu.memref_squeeze %dma_wait3A_510 : memref<1x128x64xf32, #tpu.memory_space<vmem>> -> memref<128x64xf32, #tpu.memory_space<vmem>>
        %dma_wait3A_512 = arith.constant 0 : i32
        %dma_wait3A_513 = tpu.memref_slice %arg6[%dma_wait3A_505, %dma_wait3A_512] : memref<5x128xi32, #tpu.memory_space<vmem>> -> memref<1x128xi32, #tpu.memory_space<vmem>>
        %dma_wait3A_514 = tpu.memref_squeeze %dma_wait3A_513 : memref<1x128xi32, #tpu.memory_space<vmem>> -> memref<128xi32, #tpu.memory_space<vmem>>
        %dma_wait3A_515 = arith.constant 0 : i32
        %dma_wait3A_516 = arith.constant 0 : i32
        %dma_wait3A_517 = tpu.memref_slice %arg4[%dma_wait3A_515, %dma_wait3A_516] : memref<2048x64xf32, #tpu.memory_space<hbm>> -> memref<2048x64xf32, #tpu.memory_space<hbm>>
        %dma_wait3A_518 = tpu.memref_slice %arg10[%dma_wait3A_507] : memref<5x!tpu.dma_semaphore, #tpu.memory_space<semaphore_mem>> -> memref<1x!tpu.dma_semaphore, #tpu.memory_space<semaphore_mem>>
        %dma_wait3A_519 = tpu.memref_squeeze %dma_wait3A_518 : memref<1x!tpu.dma_semaphore, #tpu.memory_space<semaphore_mem>> -> memref<!tpu.dma_semaphore, #tpu.memory_space<semaphore_mem>>
        tpu.wait_indirect_dma semaphore(%dma_wait3A_519 : memref<!tpu.dma_semaphore, #tpu.memory_space<semaphore_mem>>) src(%dma_wait3A_517 : memref<2048x64xf32, #tpu.memory_space<hbm>>) dst(%dma_wait3A_511 : memref<128x64xf32, #tpu.memory_space<vmem>>)
        %mul3A_520 = arith.constant 128 : i32
        %mul3A_521 = arith.muli %sub3A_504, %mul3A_520 : i32
        %add3A_522 = arith.addi %mul3A_2, %mul3A_521 : i32
        %dma_start3A_523 = arith.constant 2 : i32
        %dma_start3A_524 = arith.constant 2 : i32
        %dma_start3A_525 = arith.constant 0 : i32
        %dma_start3A_526 = arith.constant 0 : i32
        %dma_start3A_527 = tpu.memref_slice %arg7[%dma_start3A_523, %dma_start3A_525, %dma_start3A_526] : memref<5x128x64xf32, #tpu.memory_space<vmem>> -> memref<1x128x64xf32, #tpu.memory_space<vmem>>
        %dma_start3A_528 = tpu.memref_squeeze %dma_start3A_527 : memref<1x128x64xf32, #tpu.memory_space<vmem>> -> memref<128x64xf32, #tpu.memory_space<vmem>>
        %dma_start3A_529 = arith.constant 0 : i32
        %dma_start3A_530 = tpu.memref_slice %arg5[%add3A_522, %dma_start3A_529] : memref<819200x64xf32, #tpu.memory_space<hbm>> -> memref<128x64xf32, #tpu.memory_space<hbm>>
        %dma_start3A_531 = tpu.memref_slice %arg11[%dma_start3A_524] : memref<5x!tpu.dma_semaphore, #tpu.memory_space<semaphore_mem>> -> memref<1x!tpu.dma_semaphore, #tpu.memory_space<semaphore_mem>>
        %dma_start3A_532 = tpu.memref_squeeze %dma_start3A_531 : memref<1x!tpu.dma_semaphore, #tpu.memory_space<semaphore_mem>> -> memref<!tpu.dma_semaphore, #tpu.memory_space<semaphore_mem>>
        %dma_start3A_533 = arith.constant 0 : i32
        %dma_start3A_534 = tpu.memref_slice %arg5[%add3A_522, %dma_start3A_533] : memref<819200x64xf32, #tpu.memory_space<hbm>> -> memref<128x64xf32, #tpu.memory_space<hbm>>
        %dma_start3A_535 = arith.constant 0 : i32
        %dma_start3A_536 = arith.constant 0 : i32
        %dma_start3A_537 = tpu.memref_slice %arg7[%dma_start3A_523, %dma_start3A_535, %dma_start3A_536] : memref<5x128x64xf32, #tpu.memory_space<vmem>> -> memref<1x128x64xf32, #tpu.memory_space<vmem>>
        %dma_start3A_538 = tpu.memref_squeeze %dma_start3A_537 : memref<1x128x64xf32, #tpu.memory_space<vmem>> -> memref<128x64xf32, #tpu.memory_space<vmem>>
        tpu.enqueue_dma source(%dma_start3A_538 : memref<128x64xf32, #tpu.memory_space<vmem>>) target(%dma_start3A_534 : memref<128x64xf32, #tpu.memory_space<hbm>>) target_semaphore(%dma_start3A_532 : memref<!tpu.dma_semaphore, #tpu.memory_space<semaphore_mem>>)
      } else {
      }
    }
    %scan3A_66 = arith.constant 40 : i32
    %dma_wait3A = arith.constant 3 : i32
    %dma_wait3A_67 = arith.constant 3 : i32
    %dma_wait3A_68 = arith.constant 3 : i32
    %dma_wait3A_69 = arith.constant 0 : i32
    %dma_wait3A_70 = arith.constant 0 : i32
    %dma_wait3A_71 = tpu.memref_slice %arg7[%dma_wait3A_67, %dma_wait3A_69, %dma_wait3A_70] : memref<5x128x64xf32, #tpu.memory_space<vmem>> -> memref<1x128x64xf32, #tpu.memory_space<vmem>>
    %dma_wait3A_72 = tpu.memref_squeeze %dma_wait3A_71 : memref<1x128x64xf32, #tpu.memory_space<vmem>> -> memref<128x64xf32, #tpu.memory_space<vmem>>
    %dma_wait3A_73 = arith.constant 0 : i32
    %dma_wait3A_74 = tpu.memref_slice %arg6[%dma_wait3A, %dma_wait3A_73] : memref<5x128xi32, #tpu.memory_space<vmem>> -> memref<1x128xi32, #tpu.memory_space<vmem>>
    %dma_wait3A_75 = tpu.memref_squeeze %dma_wait3A_74 : memref<1x128xi32, #tpu.memory_space<vmem>> -> memref<128xi32, #tpu.memory_space<vmem>>
    %dma_wait3A_76 = arith.constant 0 : i32
    %dma_wait3A_77 = arith.constant 0 : i32
    %dma_wait3A_78 = tpu.memref_slice %arg4[%dma_wait3A_76, %dma_wait3A_77] : memref<2048x64xf32, #tpu.memory_space<hbm>> -> memref<2048x64xf32, #tpu.memory_space<hbm>>
    %dma_wait3A_79 = tpu.memref_slice %arg10[%dma_wait3A_68] : memref<5x!tpu.dma_semaphore, #tpu.memory_space<semaphore_mem>> -> memref<1x!tpu.dma_semaphore, #tpu.memory_space<semaphore_mem>>
    %dma_wait3A_80 = tpu.memref_squeeze %dma_wait3A_79 : memref<1x!tpu.dma_semaphore, #tpu.memory_space<semaphore_mem>> -> memref<!tpu.dma_semaphore, #tpu.memory_space<semaphore_mem>>
    tpu.wait_indirect_dma semaphore(%dma_wait3A_80 : memref<!tpu.dma_semaphore, #tpu.memory_space<semaphore_mem>>) src(%dma_wait3A_78 : memref<2048x64xf32, #tpu.memory_space<hbm>>) dst(%dma_wait3A_72 : memref<128x64xf32, #tpu.memory_space<vmem>>)
    %add3A_81 = arith.constant 25344 : i32
    %add3A_82 = arith.addi %mul3A_2, %add3A_81 : i32
    %dma_start3A_83 = arith.constant 3 : i32
    %dma_start3A_84 = arith.constant 3 : i32
    %dma_start3A_85 = arith.constant 0 : i32
    %dma_start3A_86 = arith.constant 0 : i32
    %dma_start3A_87 = tpu.memref_slice %arg7[%dma_start3A_83, %dma_start3A_85, %dma_start3A_86] : memref<5x128x64xf32, #tpu.memory_space<vmem>> -> memref<1x128x64xf32, #tpu.memory_space<vmem>>
    %dma_start3A_88 = tpu.memref_squeeze %dma_start3A_87 : memref<1x128x64xf32, #tpu.memory_space<vmem>> -> memref<128x64xf32, #tpu.memory_space<vmem>>
    %dma_start3A_89 = arith.constant 0 : i32
    %dma_start3A_90 = tpu.memref_slice %arg5[%add3A_82, %dma_start3A_89] : memref<819200x64xf32, #tpu.memory_space<hbm>> -> memref<128x64xf32, #tpu.memory_space<hbm>>
    %dma_start3A_91 = tpu.memref_slice %arg11[%dma_start3A_84] : memref<5x!tpu.dma_semaphore, #tpu.memory_space<semaphore_mem>> -> memref<1x!tpu.dma_semaphore, #tpu.memory_space<semaphore_mem>>
    %dma_start3A_92 = tpu.memref_squeeze %dma_start3A_91 : memref<1x!tpu.dma_semaphore, #tpu.memory_space<semaphore_mem>> -> memref<!tpu.dma_semaphore, #tpu.memory_space<semaphore_mem>>
    %dma_start3A_93 = arith.constant 0 : i32
    %dma_start3A_94 = tpu.memref_slice %arg5[%add3A_82, %dma_start3A_93] : memref<819200x64xf32, #tpu.memory_space<hbm>> -> memref<128x64xf32, #tpu.memory_space<hbm>>
    %dma_start3A_95 = arith.constant 0 : i32
    %dma_start3A_96 = arith.constant 0 : i32
    %dma_start3A_97 = tpu.memref_slice %arg7[%dma_start3A_83, %dma_start3A_95, %dma_start3A_96] : memref<5x128x64xf32, #tpu.memory_space<vmem>> -> memref<1x128x64xf32, #tpu.memory_space<vmem>>
    %dma_start3A_98 = tpu.memref_squeeze %dma_start3A_97 : memref<1x128x64xf32, #tpu.memory_space<vmem>> -> memref<128x64xf32, #tpu.memory_space<vmem>>
    tpu.enqueue_dma source(%dma_start3A_98 : memref<128x64xf32, #tpu.memory_space<vmem>>) target(%dma_start3A_94 : memref<128x64xf32, #tpu.memory_space<hbm>>) target_semaphore(%dma_start3A_92 : memref<!tpu.dma_semaphore, #tpu.memory_space<semaphore_mem>>)
    %dma_wait3A_99 = arith.constant 4 : i32
    %dma_wait3A_100 = arith.constant 4 : i32
    %dma_wait3A_101 = arith.constant 4 : i32
    %dma_wait3A_102 = arith.constant 0 : i32
    %dma_wait3A_103 = arith.constant 0 : i32
    %dma_wait3A_104 = tpu.memref_slice %arg7[%dma_wait3A_100, %dma_wait3A_102, %dma_wait3A_103] : memref<5x128x64xf32, #tpu.memory_space<vmem>> -> memref<1x128x64xf32, #tpu.memory_space<vmem>>
    %dma_wait3A_105 = tpu.memref_squeeze %dma_wait3A_104 : memref<1x128x64xf32, #tpu.memory_space<vmem>> -> memref<128x64xf32, #tpu.memory_space<vmem>>
    %dma_wait3A_106 = arith.constant 0 : i32
    %dma_wait3A_107 = tpu.memref_slice %arg6[%dma_wait3A_99, %dma_wait3A_106] : memref<5x128xi32, #tpu.memory_space<vmem>> -> memref<1x128xi32, #tpu.memory_space<vmem>>
    %dma_wait3A_108 = tpu.memref_squeeze %dma_wait3A_107 : memref<1x128xi32, #tpu.memory_space<vmem>> -> memref<128xi32, #tpu.memory_space<vmem>>
    %dma_wait3A_109 = arith.constant 0 : i32
    %dma_wait3A_110 = arith.constant 0 : i32
    %dma_wait3A_111 = tpu.memref_slice %arg4[%dma_wait3A_109, %dma_wait3A_110] : memref<2048x64xf32, #tpu.memory_space<hbm>> -> memref<2048x64xf32, #tpu.memory_space<hbm>>
    %dma_wait3A_112 = tpu.memref_slice %arg10[%dma_wait3A_101] : memref<5x!tpu.dma_semaphore, #tpu.memory_space<semaphore_mem>> -> memref<1x!tpu.dma_semaphore, #tpu.memory_space<semaphore_mem>>
    %dma_wait3A_113 = tpu.memref_squeeze %dma_wait3A_112 : memref<1x!tpu.dma_semaphore, #tpu.memory_space<semaphore_mem>> -> memref<!tpu.dma_semaphore, #tpu.memory_space<semaphore_mem>>
    tpu.wait_indirect_dma semaphore(%dma_wait3A_113 : memref<!tpu.dma_semaphore, #tpu.memory_space<semaphore_mem>>) src(%dma_wait3A_111 : memref<2048x64xf32, #tpu.memory_space<hbm>>) dst(%dma_wait3A_105 : memref<128x64xf32, #tpu.memory_space<vmem>>)
    %add3A_114 = arith.constant 25472 : i32
    %add3A_115 = arith.addi %mul3A_2, %add3A_114 : i32
    %dma_start3A_116 = arith.constant 4 : i32
    %dma_start3A_117 = arith.constant 4 : i32
    %dma_start3A_118 = arith.constant 0 : i32
    %dma_start3A_119 = arith.constant 0 : i32
    %dma_start3A_120 = tpu.memref_slice %arg7[%dma_start3A_116, %dma_start3A_118, %dma_start3A_119] : memref<5x128x64xf32, #tpu.memory_space<vmem>> -> memref<1x128x64xf32, #tpu.memory_space<vmem>>
    %dma_start3A_121 = tpu.memref_squeeze %dma_start3A_120 : memref<1x128x64xf32, #tpu.memory_space<vmem>> -> memref<128x64xf32, #tpu.memory_space<vmem>>
    %dma_start3A_122 = arith.constant 0 : i32
    %dma_start3A_123 = tpu.memref_slice %arg5[%add3A_115, %dma_start3A_122] : memref<819200x64xf32, #tpu.memory_space<hbm>> -> memref<128x64xf32, #tpu.memory_space<hbm>>
    %dma_start3A_124 = tpu.memref_slice %arg11[%dma_start3A_117] : memref<5x!tpu.dma_semaphore, #tpu.memory_space<semaphore_mem>> -> memref<1x!tpu.dma_semaphore, #tpu.memory_space<semaphore_mem>>
    %dma_start3A_125 = tpu.memref_squeeze %dma_start3A_124 : memref<1x!tpu.dma_semaphore, #tpu.memory_space<semaphore_mem>> -> memref<!tpu.dma_semaphore, #tpu.memory_space<semaphore_mem>>
    %dma_start3A_126 = arith.constant 0 : i32
    %dma_start3A_127 = tpu.memref_slice %arg5[%add3A_115, %dma_start3A_126] : memref<819200x64xf32, #tpu.memory_space<hbm>> -> memref<128x64xf32, #tpu.memory_space<hbm>>
    %dma_start3A_128 = arith.constant 0 : i32
    %dma_start3A_129 = arith.constant 0 : i32
    %dma_start3A_130 = tpu.memref_slice %arg7[%dma_start3A_116, %dma_start3A_128, %dma_start3A_129] : memref<5x128x64xf32, #tpu.memory_space<vmem>> -> memref<1x128x64xf32, #tpu.memory_space<vmem>>
    %dma_start3A_131 = tpu.memref_squeeze %dma_start3A_130 : memref<1x128x64xf32, #tpu.memory_space<vmem>> -> memref<128x64xf32, #tpu.memory_space<vmem>>
    tpu.enqueue_dma source(%dma_start3A_131 : memref<128x64xf32, #tpu.memory_space<vmem>>) target(%dma_start3A_127 : memref<128x64xf32, #tpu.memory_space<hbm>>) target_semaphore(%dma_start3A_125 : memref<!tpu.dma_semaphore, #tpu.memory_space<semaphore_mem>>)
    %dma_wait3A_132 = arith.constant 0 : i32
    %dma_wait3A_133 = arith.constant 0 : i32
    %dma_wait3A_134 = arith.constant 0 : i32
    %dma_wait3A_135 = arith.constant 0 : i32
    %dma_wait3A_136 = tpu.memref_slice %arg7[%dma_wait3A_132, %dma_wait3A_134, %dma_wait3A_135] : memref<5x128x64xf32, #tpu.memory_space<vmem>> -> memref<1x128x64xf32, #tpu.memory_space<vmem>>
    %dma_wait3A_137 = tpu.memref_squeeze %dma_wait3A_136 : memref<1x128x64xf32, #tpu.memory_space<vmem>> -> memref<128x64xf32, #tpu.memory_space<vmem>>
    %dma_wait3A_138 = arith.constant 0 : i32
    %dma_wait3A_139 = tpu.memref_slice %arg5[%mul3A_2, %dma_wait3A_138] : memref<819200x64xf32, #tpu.memory_space<hbm>> -> memref<128x64xf32, #tpu.memory_space<hbm>>
    %dma_wait3A_140 = tpu.memref_slice %arg11[%dma_wait3A_133] : memref<5x!tpu.dma_semaphore, #tpu.memory_space<semaphore_mem>> -> memref<1x!tpu.dma_semaphore, #tpu.memory_space<semaphore_mem>>
    %dma_wait3A_141 = tpu.memref_squeeze %dma_wait3A_140 : memref<1x!tpu.dma_semaphore, #tpu.memory_space<semaphore_mem>> -> memref<!tpu.dma_semaphore, #tpu.memory_space<semaphore_mem>>
    %dma_wait3A_142 = arith.constant 0 : i32
    %dma_wait3A_143 = tpu.memref_slice %arg5[%mul3A_2, %dma_wait3A_142] : memref<819200x64xf32, #tpu.memory_space<hbm>> -> memref<128x64xf32, #tpu.memory_space<hbm>>
    %dma_wait3A_144 = arith.constant 0 : i32
    %dma_wait3A_145 = arith.constant 0 : i32
    %dma_wait3A_146 = tpu.memref_slice %arg7[%dma_wait3A_132, %dma_wait3A_144, %dma_wait3A_145] : memref<5x128x64xf32, #tpu.memory_space<vmem>> -> memref<1x128x64xf32, #tpu.memory_space<vmem>>
    %dma_wait3A_147 = tpu.memref_squeeze %dma_wait3A_146 : memref<1x128x64xf32, #tpu.memory_space<vmem>> -> memref<128x64xf32, #tpu.memory_space<vmem>>
    tpu.wait_dma2 semaphore(%dma_wait3A_141 : memref<!tpu.dma_semaphore, #tpu.memory_space<semaphore_mem>>) src(%dma_wait3A_147 : memref<128x64xf32, #tpu.memory_space<vmem>>) dst(%dma_wait3A_143 : memref<128x64xf32, #tpu.memory_space<hbm>>)
    %dma_wait3A_148 = arith.constant 1 : i32
    %dma_wait3A_149 = arith.constant 1 : i32
    %dma_wait3A_150 = arith.constant 0 : i32
    %dma_wait3A_151 = arith.constant 0 : i32
    %dma_wait3A_152 = tpu.memref_slice %arg7[%dma_wait3A_148, %dma_wait3A_150, %dma_wait3A_151] : memref<5x128x64xf32, #tpu.memory_space<vmem>> -> memref<1x128x64xf32, #tpu.memory_space<vmem>>
    %dma_wait3A_153 = tpu.memref_squeeze %dma_wait3A_152 : memref<1x128x64xf32, #tpu.memory_space<vmem>> -> memref<128x64xf32, #tpu.memory_space<vmem>>
    %dma_wait3A_154 = arith.constant 0 : i32
    %dma_wait3A_155 = tpu.memref_slice %arg5[%mul3A_2, %dma_wait3A_154] : memref<819200x64xf32, #tpu.memory_space<hbm>> -> memref<128x64xf32, #tpu.memory_space<hbm>>
    %dma_wait3A_156 = tpu.memref_slice %arg11[%dma_wait3A_149] : memref<5x!tpu.dma_semaphore, #tpu.memory_space<semaphore_mem>> -> memref<1x!tpu.dma_semaphore, #tpu.memory_space<semaphore_mem>>
    %dma_wait3A_157 = tpu.memref_squeeze %dma_wait3A_156 : memref<1x!tpu.dma_semaphore, #tpu.memory_space<semaphore_mem>> -> memref<!tpu.dma_semaphore, #tpu.memory_space<semaphore_mem>>
    %dma_wait3A_158 = arith.constant 0 : i32
    %dma_wait3A_159 = tpu.memref_slice %arg5[%mul3A_2, %dma_wait3A_158] : memref<819200x64xf32, #tpu.memory_space<hbm>> -> memref<128x64xf32, #tpu.memory_space<hbm>>
    %dma_wait3A_160 = arith.constant 0 : i32
    %dma_wait3A_161 = arith.constant 0 : i32
    %dma_wait3A_162 = tpu.memref_slice %arg7[%dma_wait3A_148, %dma_wait3A_160, %dma_wait3A_161] : memref<5x128x64xf32, #tpu.memory_space<vmem>> -> memref<1x128x64xf32, #tpu.memory_space<vmem>>
    %dma_wait3A_163 = tpu.memref_squeeze %dma_wait3A_162 : memref<1x128x64xf32, #tpu.memory_space<vmem>> -> memref<128x64xf32, #tpu.memory_space<vmem>>
    tpu.wait_dma2 semaphore(%dma_wait3A_157 : memref<!tpu.dma_semaphore, #tpu.memory_space<semaphore_mem>>) src(%dma_wait3A_163 : memref<128x64xf32, #tpu.memory_space<vmem>>) dst(%dma_wait3A_159 : memref<128x64xf32, #tpu.memory_space<hbm>>)
    %dma_wait3A_164 = arith.constant 2 : i32
    %dma_wait3A_165 = arith.constant 2 : i32
    %dma_wait3A_166 = arith.constant 0 : i32
    %dma_wait3A_167 = arith.constant 0 : i32
    %dma_wait3A_168 = tpu.memref_slice %arg7[%dma_wait3A_164, %dma_wait3A_166, %dma_wait3A_167] : memref<5x128x64xf32, #tpu.memory_space<vmem>> -> memref<1x128x64xf32, #tpu.memory_space<vmem>>
    %dma_wait3A_169 = tpu.memref_squeeze %dma_wait3A_168 : memref<1x128x64xf32, #tpu.memory_space<vmem>> -> memref<128x64xf32, #tpu.memory_space<vmem>>
    %dma_wait3A_170 = arith.constant 0 : i32
    %dma_wait3A_171 = tpu.memref_slice %arg5[%mul3A_2, %dma_wait3A_170] : memref<819200x64xf32, #tpu.memory_space<hbm>> -> memref<128x64xf32, #tpu.memory_space<hbm>>
    %dma_wait3A_172 = tpu.memref_slice %arg11[%dma_wait3A_165] : memref<5x!tpu.dma_semaphore, #tpu.memory_space<semaphore_mem>> -> memref<1x!tpu.dma_semaphore, #tpu.memory_space<semaphore_mem>>
    %dma_wait3A_173 = tpu.memref_squeeze %dma_wait3A_172 : memref<1x!tpu.dma_semaphore, #tpu.memory_space<semaphore_mem>> -> memref<!tpu.dma_semaphore, #tpu.memory_space<semaphore_mem>>
    %dma_wait3A_174 = arith.constant 0 : i32
    %dma_wait3A_175 = tpu.memref_slice %arg5[%mul3A_2, %dma_wait3A_174] : memref<819200x64xf32, #tpu.memory_space<hbm>> -> memref<128x64xf32, #tpu.memory_space<hbm>>
    %dma_wait3A_176 = arith.constant 0 : i32
    %dma_wait3A_177 = arith.constant 0 : i32
    %dma_wait3A_178 = tpu.memref_slice %arg7[%dma_wait3A_164, %dma_wait3A_176, %dma_wait3A_177] : memref<5x128x64xf32, #tpu.memory_space<vmem>> -> memref<1x128x64xf32, #tpu.memory_space<vmem>>
    %dma_wait3A_179 = tpu.memref_squeeze %dma_wait3A_178 : memref<1x128x64xf32, #tpu.memory_space<vmem>> -> memref<128x64xf32, #tpu.memory_space<vmem>>
    tpu.wait_dma2 semaphore(%dma_wait3A_173 : memref<!tpu.dma_semaphore, #tpu.memory_space<semaphore_mem>>) src(%dma_wait3A_179 : memref<128x64xf32, #tpu.memory_space<vmem>>) dst(%dma_wait3A_175 : memref<128x64xf32, #tpu.memory_space<hbm>>)
    %dma_wait3A_180 = arith.constant 3 : i32
    %dma_wait3A_181 = arith.constant 3 : i32
    %dma_wait3A_182 = arith.constant 0 : i32
    %dma_wait3A_183 = arith.constant 0 : i32
    %dma_wait3A_184 = tpu.memref_slice %arg7[%dma_wait3A_180, %dma_wait3A_182, %dma_wait3A_183] : memref<5x128x64xf32, #tpu.memory_space<vmem>> -> memref<1x128x64xf32, #tpu.memory_space<vmem>>
    %dma_wait3A_185 = tpu.memref_squeeze %dma_wait3A_184 : memref<1x128x64xf32, #tpu.memory_space<vmem>> -> memref<128x64xf32, #tpu.memory_space<vmem>>
    %dma_wait3A_186 = arith.constant 0 : i32
    %dma_wait3A_187 = tpu.memref_slice %arg5[%mul3A_2, %dma_wait3A_186] : memref<819200x64xf32, #tpu.memory_space<hbm>> -> memref<128x64xf32, #tpu.memory_space<hbm>>
    %dma_wait3A_188 = tpu.memref_slice %arg11[%dma_wait3A_181] : memref<5x!tpu.dma_semaphore, #tpu.memory_space<semaphore_mem>> -> memref<1x!tpu.dma_semaphore, #tpu.memory_space<semaphore_mem>>
    %dma_wait3A_189 = tpu.memref_squeeze %dma_wait3A_188 : memref<1x!tpu.dma_semaphore, #tpu.memory_space<semaphore_mem>> -> memref<!tpu.dma_semaphore, #tpu.memory_space<semaphore_mem>>
    %dma_wait3A_190 = arith.constant 0 : i32
    %dma_wait3A_191 = tpu.memref_slice %arg5[%mul3A_2, %dma_wait3A_190] : memref<819200x64xf32, #tpu.memory_space<hbm>> -> memref<128x64xf32, #tpu.memory_space<hbm>>
    %dma_wait3A_192 = arith.constant 0 : i32
    %dma_wait3A_193 = arith.constant 0 : i32
    %dma_wait3A_194 = tpu.memref_slice %arg7[%dma_wait3A_180, %dma_wait3A_192, %dma_wait3A_193] : memref<5x128x64xf32, #tpu.memory_space<vmem>> -> memref<1x128x64xf32, #tpu.memory_space<vmem>>
    %dma_wait3A_195 = tpu.memref_squeeze %dma_wait3A_194 : memref<1x128x64xf32, #tpu.memory_space<vmem>> -> memref<128x64xf32, #tpu.memory_space<vmem>>
    tpu.wait_dma2 semaphore(%dma_wait3A_189 : memref<!tpu.dma_semaphore, #tpu.memory_space<semaphore_mem>>) src(%dma_wait3A_195 : memref<128x64xf32, #tpu.memory_space<vmem>>) dst(%dma_wait3A_191 : memref<128x64xf32, #tpu.memory_space<hbm>>)
    %dma_wait3A_196 = arith.constant 4 : i32
    %dma_wait3A_197 = arith.constant 4 : i32
    %dma_wait3A_198 = arith.constant 0 : i32
    %dma_wait3A_199 = arith.constant 0 : i32
    %dma_wait3A_200 = tpu.memref_slice %arg7[%dma_wait3A_196, %dma_wait3A_198, %dma_wait3A_199] : memref<5x128x64xf32, #tpu.memory_space<vmem>> -> memref<1x128x64xf32, #tpu.memory_space<vmem>>
    %dma_wait3A_201 = tpu.memref_squeeze %dma_wait3A_200 : memref<1x128x64xf32, #tpu.memory_space<vmem>> -> memref<128x64xf32, #tpu.memory_space<vmem>>
    %dma_wait3A_202 = arith.constant 0 : i32
    %dma_wait3A_203 = tpu.memref_slice %arg5[%mul3A_2, %dma_wait3A_202] : memref<819200x64xf32, #tpu.memory_space<hbm>> -> memref<128x64xf32, #tpu.memory_space<hbm>>
    %dma_wait3A_204 = tpu.memref_slice %arg11[%dma_wait3A_197] : memref<5x!tpu.dma_semaphore, #tpu.memory_space<semaphore_mem>> -> memref<1x!tpu.dma_semaphore, #tpu.memory_space<semaphore_mem>>
    %dma_wait3A_205 = tpu.memref_squeeze %dma_wait3A_204 : memref<1x!tpu.dma_semaphore, #tpu.memory_space<semaphore_mem>> -> memref<!tpu.dma_semaphore, #tpu.memory_space<semaphore_mem>>
    %dma_wait3A_206 = arith.constant 0 : i32
    %dma_wait3A_207 = tpu.memref_slice %arg5[%mul3A_2, %dma_wait3A_206] : memref<819200x64xf32, #tpu.memory_space<hbm>> -> memref<128x64xf32, #tpu.memory_space<hbm>>
    %dma_wait3A_208 = arith.constant 0 : i32
    %dma_wait3A_209 = arith.constant 0 : i32
    %dma_wait3A_210 = tpu.memref_slice %arg7[%dma_wait3A_196, %dma_wait3A_208, %dma_wait3A_209] : memref<5x128x64xf32, #tpu.memory_space<vmem>> -> memref<1x128x64xf32, #tpu.memory_space<vmem>>
    %dma_wait3A_211 = tpu.memref_squeeze %dma_wait3A_210 : memref<1x128x64xf32, #tpu.memory_space<vmem>> -> memref<128x64xf32, #tpu.memory_space<vmem>>
    tpu.wait_dma2 semaphore(%dma_wait3A_205 : memref<!tpu.dma_semaphore, #tpu.memory_space<semaphore_mem>>) src(%dma_wait3A_211 : memref<128x64xf32, #tpu.memory_space<vmem>>) dst(%dma_wait3A_207 : memref<128x64xf32, #tpu.memory_space<hbm>>)
    return
  }
}

</mosaic_0001>

<sc_bundles>
// kernel: kernel.3.cloned.1.call-start
scs
__scs_entry_jumppad:
0x0: {  	(pc) =	sbr.rel $0x88, $3  }
0x1: {  	(tag) =	ssettag $0x0;
	lr =	simm.s32 $0x1  }
0x2: {  	[smem:$0x3F9E] =	sst lr;
	_ =	strace $0xD0000000  }
0x3: {  	_ = 	snop  }
0x4: {  	_ = 	snop  }
0x5: {  	_ = 	snop  }
0x6: {  	_ = 	snop  }
0x7: {  	_ = 	snop  }
__scs_overlays_trampoline_lowered:
0x8: {  	[smem:$0x3FAD] =	sst s0  }
0x9: {  	[smem:$0x3FAE] =	sst s1  }
0xa: {  	[smem:$0x3FAF] =	sst s2  }
0xb: {  	[smem:$0x3FB0] =	sst s3  }
0xc: {  	[smem:$0x3FB1] =	sst s4  }
0xd: {  	[smem:$0x3FB2] =	sst s5  }
0xe: {  	[smem:$0x3FB3] =	sst s6  }
0xf: {  	[smem:$0x3FB4] =	sst s7  }
0x10: {  	[smem:$0x3FB5] =	sst s8  }
0x11: {  	[smem:$0x3FB6] =	sst s9;
	s0 =	simm.s32 @!p0 $0x0  }
0x12: {  	s1 =	sld [smem:$0x3F9C];
	s0 =	simm.s32 @p0 $0x1  }
0x13: {  	[smem:$0x3FB7] =	sst s0;
	s0 =	simm.s32 @!p1 $0x0  }
0x14: {  	s2 =	sld [smem:$0x3F9B];
	s0 =	simm.s32 @p1 $0x1  }
0x15: {  	[smem:$0x3FB8] =	sst s0;
	s0 =	simm.s32 @!p2 $0x0  }
0x16: {  	s3 =	sld [smem:$0x3FDB];
	s0 =	simm.s32 @p2 $0x1  }
0x17: {  	s4 =	simm.s32 $0x1BF5;
	[smem:$0x3FBA] =	sst s0  }
0x18: {  	s0 =	sld [smem:$0x3F9D];
	_ =	swait.ge [sflag:s4], $0x0  }
0x19: {  	s7 =	sld [smem:$0x3F9E]  }
0x1a: {  	s8 =	sadd.s32 $0xFFFFE003, lr  }
0x1b: {  	s9 =	sadd.s32 $0xFFFFFEF7, lr;
	s5 =	simm.s32 $0xFFFFFFFF;
	p2 =	slt.u32 s8, $0xFFFFF086  }
0x1c: {  	p1 =	slt.u32 s9, $0xF7A;
	s5 =	simm.s32 @!p2 $0x0  }
0x1d: {  	s5 =	simm.s32 @p1 $0x1;
	p0 =	seq.s32 s7, s2  }
0x1e: {  	s7 =	smul.u32 @!p0 $0xF7A, s2;
	p2 =	seq.s32 @!p0 s5, $0x0  }
0x1f: {  	s9 =	smul.u32 $0xF7A, s1;
	s8 =	simm.s32 @!p0 $0x1BF5;
	p2 =	por !p2, p0  }
0x20: {  	[sflag:s8] =	ssyncset.s32 @!p0 $0xFFFFF086;
	s6 =	sadd.s32 @!p0 s3, s7;
	s7 =	simm.s32 @!p0 $0x108  }
0x21: {  	s3 =	sadd.s32 s3, s9;
	s6 =	sadd.s32 @!p0 $0x88, s6;
	s7 =	simm.s32 @p2 $0x1082  }
0x22: {  	[simem:s7], [sflag:s8] =	dma.local @!p0 [hbm:s6], $0xF7A  }
0x23: {  	s9 =	sor.u32 $0xD0000000, s2;
	s6 =	simm.s32 $0x108;
	_ =	swait.ge @!p0 [sflag:s8], $0x0  }
0x24: {  	s3 =	sadd.s32 $0x88, s3;
	s6 =	simm.s32 @!p1 $0x1082;
	[sflag:s4] =	ssyncset.s32 $0xFFFFF086  }
0x25: {  	[simem:s6], [sflag:s4] =	dma.local [hbm:s3], $0xF7A  }
0x26: {  	[smem:$0x3F9E] =	sst s1;
	(tag) =	ssettag s2;
	_ =	strace s9  }
0x27: {  	s1 =	sld [smem:$0x3FAE]  }
0x28: {  	s2 =	sld [smem:$0x3FAF]  }
0x29: {  	s4 =	sld [smem:$0x3FB1]  }
0x2a: {  	p0 =	seq.s32 s5, $0x0;
	s5 =	sld [smem:$0x3FB2]  }
0x2b: {  	s6 =	sld [smem:$0x3FB3]  }
0x2c: {  	s7 =	sld [smem:$0x3FB4]  }
0x2d: {  	s3 =	simm.s32 $0x108;
	s8 =	sld [smem:$0x3FB5]  }
0x2e: {  	s3 =	simm.s32 @!p0 $0x1082;
	s9 =	sld [smem:$0x3FB6]  }
0x2f: {  	lr =	sadd.s32 s0, s3;
	s0 =	sld [smem:$0x3FAD]  }
0x30: {  	s3 =	sld [smem:$0x3FB0]  }
0x31: {  	[smem:$0x3FB9] =	sst s10  }
0x32: {  	s10 =	sld [smem:$0x3FB7];
	_ =	sdelay $0x3  }
0x33: {  	p0 =	seq.s32 s10, $0x1;
	s10 =	sld [smem:$0x3FB9];
	_ =	sdelay $0x3  }
0x34: {  	[smem:$0x3FB9] =	sst s10  }
0x35: {  	s10 =	sld [smem:$0x3FB8];
	_ =	sdelay $0x3  }
0x36: {  	p1 =	seq.s32 s10, $0x1;
	s10 =	sld [smem:$0x3FB9];
	_ =	sdelay $0x3  }
0x37: {  	[smem:$0x3FB9] =	sst s10  }
0x38: {  	s10 =	sld [smem:$0x3FBA]  }
0x39: {  	_ = 	snop;
	(pc) =	sbr.ind lr, $3  }
0x3a: {  	_ = 	snop  }
0x3b: {  	_ = 	snop  }
0x3c: {  	p2 =	seq.s32 s10, $0x1;
	s10 =	sld [smem:$0x3FB9]  }
0x3d: {  	_ =	shalt  }
0x3e: {  	_ =	shalt  }
0x3f: {  	_ =	shalt  }
0x40: {  	_ =	shalt  }
0x41: {  	_ =	shalt  }
0x42: {  	_ =	shalt  }
0x43: {  	_ =	shalt  }
0x44: {  	_ =	shalt  }
0x45: {  	_ =	shalt  }
0x46: {  	_ =	shalt  }
0x47: {  	_ =	shalt  }
0x48: {  	_ =	shalt  }
0x49: {  	_ =	shalt  }
0x4a: {  	_ =	shalt  }
0x4b: {  	_ =	shalt  }
0x4c: {  	_ =	shalt  }
0x4d: {  	_ =	shalt  }
0x4e: {  	_ =	shalt  }
0x4f: {  	_ =	shalt  }
0x50: {  	_ =	shalt  }
0x51: {  	_ =	shalt  }
0x52: {  	_ =	shalt  }
0x53: {  	_ =	shalt  }
0x54: {  	_ =	shalt  }
0x55: {  	_ =	shalt  }
0x56: {  	_ =	shalt  }
0x57: {  	_ =	shalt  }
0x58: {  	_ =	shalt  }
0x59: {  	_ =	shalt  }
0x5a: {  	_ =	shalt  }
0x5b: {  	_ =	shalt  }
0x5c: {  	_ =	shalt  }
0x5d: {  	_ =	shalt  }
0x5e: {  	_ =	shalt  }
0x5f: {  	_ =	shalt  }
0x60: {  	_ =	shalt  }
0x61: {  	_ =	shalt  }
0x62: {  	_ =	shalt  }
0x63: {  	_ =	shalt  }
0x64: {  	_ =	shalt  }
0x65: {  	_ =	shalt  }
0x66: {  	_ =	shalt  }
0x67: {  	_ =	shalt  }
0x68: {  	_ =	shalt  }
0x69: {  	_ =	shalt  }
0x6a: {  	_ =	shalt  }
0x6b: {  	_ =	shalt  }
0x6c: {  	_ =	shalt  }
0x6d: {  	_ =	shalt  }
0x6e: {  	_ =	shalt  }
0x6f: {  	_ =	shalt  }
0x70: {  	_ =	shalt  }
0x71: {  	_ =	shalt  }
0x72: {  	_ =	shalt  }
0x73: {  	_ =	shalt  }
0x74: {  	_ =	shalt  }
0x75: {  	_ =	shalt  }
0x76: {  	_ =	shalt  }
0x77: {  	_ =	shalt  }
0x78: {  	_ =	shalt  }
0x79: {  	_ =	shalt  }
0x7a: {  	_ =	shalt  }
0x7b: {  	_ =	shalt  }
0x7c: {  	_ =	shalt  }
0x7d: {  	_ =	shalt  }
0x7e: {  	_ =	shalt  }
0x7f: {  	_ =	shalt  }
0x80: {  	_ =	shalt  }
0x81: {  	_ =	shalt  }
0x82: {  	_ =	shalt  }
0x83: {  	_ =	shalt  }
0x84: {  	_ =	shalt  }
0x85: {  	_ =	shalt  }
0x86: {  	_ =	shalt  }
0x87: {  	_ =	shalt  }
.Lfunc_end0:
.L_simem_size_0:
called_computation.1_lowered:
.L_overlay_start_0:
0x88: {  	s2 =	sld [smem:$0x3FD9]  }
0x89: {  	s3 =	sld [smem:$0x3FFE];
	_ =	sdelay $0x1  }
0x8a: {  	s1 =	srdreg.scid  }
0x8b: {  	s0 =	sand.u32 $0x1, s1  }
0x8c: {  	s17 =	sshll.u32 s0, $0xA;
	s2 =	sadd.s32 s3, s2  }
0x8d: {  	s2 =	sadd.s32 s2, s17  }
0x8e: {  	[smem:$0x3FC5] =	sst s2  }
0x8f: {  	_ = 	snop  }
0x90: {  	s2 =	sld [smem:$0x3FD0];
	(tm) =	ssettm $0x1  }
0x91: {  	s18 =	sld [smem:$0x3FFB];
	_ =	sdelay $0x3  }
0x92: {  	_ =	strace s18  }
0x93: {  	s3 =	sld [smem:$0x3FFC];
	_ =	sdelay $0x3  }
0x94: {  	_ =	strace s3  }
0x95: {  	s3 =	sld [smem:$0x3FFD];
	_ =	sdelay $0x3  }
0x96: {  	_ =	strace s3  }
0x97: {  	_ =	strace $0x8FFFFFFF  }
0x98: {  	s19 =	sld [smem:$0x3FDB];
	_ =	sdelay $0x1  }
0x99: {  	s4 =	simm.s32 $_scs_section_size  }
0x9a: {  	s5 =	simm.s32 $_size__tile_overlayer_lowered;
	s6 =	simm.s32 $_tile_overlayer_lowered  }
0x9b: {  	s22 =	simm.s32 $0x1BFF;
	s21 =	sshll.u32 s6, $0x1;
	s3 =	sadd.s32 s4, s19  }
0x9c: {  	s7 =	simm.s32 $0x0;
	s20 =	sshll.u32 s5, $0x1;
	s5 =	sadd.s32 s21, s3  }
0x9d: {  	[timem:s7], [sflag:s22] =	dma.local [hbm:s5], s20  }
0x9e: {  	_ =	swait.ge [sflag:s22], s20  }
0x9f: {  	s4 =	ssub.s32 $0x0, s20;
	[sflag:s22] =	ssyncset.done $0x0  }
0xa0: {  	[sflag:s22] =	ssyncadd.s32 s4;
	_ =	sdelay $0x1  }
0xa1: {  	s23 =	simm.s32 $0x1B8B  }
0xa2: {  	_ =	swait.ge [sflag:s23], $0x1  }
0xa3: {  	[sflag:s23] =	ssyncset.done $0x0  }
0xa4: {  	s25 =	simm.s32 $0x1B8E;
	s24 =	sld [smem:$0x3FFE];
	[sflag:s23] =	ssyncadd.s32 $0xFFFFFFFF  }
0xa5: {  	s26 =	simm.s32 $execute0_lowered;
	[smem:$0x3FD2] =	sst s25  }
0xa6: {  	s5 =	sshll.u32 s26, $0x1;
	_ =	strace $0x80000046;
	[dreg:$0x1] =	wrdreg $0xFFFFFFFF  }
0xa7: {  	s28 =	simm.s32 $_size_execute0_lowered;
	s3 =	sadd.s32 s3, s5;
	[dreg:$0x0] =	wrdreg $0x0  }
0xa8: {  	s5 =	sshll.u32 s28, $0x1;
	[dreg:$0x2] =	wrdreg s3  }
0xa9: {  	[dreg:$0x3] =	wrdreg s5  }
0xaa: {  	[dreg:$0x4] =	wrdreg $0xC0  }
0xab: {  	_ =	task [dreg:s7], $0x5FFFF  }
0xac: {  	[dreg:$0x1] =	wrdreg $0xFFFFFFFF  }
0xad: {  	[dreg:$0x0] =	wrdreg $0x60  }
0xae: {  	[dreg:$0x2] =	wrdreg s2  }
0xaf: {  	[dreg:$0x3] =	wrdreg s24  }
0xb0: {  	[dreg:$0x4] =	wrdreg $0x9  }
0xb1: {  	_ =	task.clear_ibuf [dreg:s7], $0x5FFFF;
	_ =	strace $0x90000046  }
0xb2: {  	s29 =	simm.s32 $0x9;
	_ =	strace $0x80000048  }
0xb3: {  	_ =	swait.ge [sflag:s29], $0x1  }
0xb4: {  	[sflag:s29] =	ssyncadd.s32 $0xFFFFFFFF  }
0xb5: {  	_ =	strace $0x90000048  }
0xb6: {  	_ =	sfence  }
0xb7: {  	s30 =	sld [smem:$0x0];
	_ =	sdelay $0x2  }
0xb8: {  	s31 =	sshll.u32 s1, $0xD;
	s1 =	sshrl.u32 s1, $0x2  }
0xb9: {  	s3 =	sand.u32 $0x4000, s31;
	s1 =	sadd.s32 s1, s30  }
0xba: {  	s0 =	sor.u32 s3, s0;
	s1 =	sshll.u32 s1, $0x11  }
0xbb: {  	s0 =	sor.u32 s1, s0  }
0xbc: {  	s0 =	sadd.s32 $0x8F2B, s0  }
0xbd: {  	[sflag:s0] =	ssyncadd.remote.s32 $0x1  }
0xbe: {  	_ =	sfence.sel $0xFFFF  }
0xbf: {  	[dreg:$0x0] =	wrdreg $0xFFFFFFFF;
	(pc) =	sbr.abs _section_cstart, $3  }
0xc0: {  	[dreg:$0x1] =	wrdreg $0xFFFFFFFF  }
0xc1: {  	_ =	task.clear_ibuf [dreg:s7], $0x2FFFF;
	_ =	strace $0x9FFFFFFF  }
0xc2: {  	(tm) =	ssettm $0x7FFFFFFF  }
0xc3: {  	_ =	shalt  }
tec
execute0_lowered:
.L_overlay_start_1:
0x0: {  	(tag) =	ssettag $0x1  }
0x1: {  	s1 =	rddreg [dreg:$0x0];
	s13 =	stileid.u32  }
0x2: {  	s0 =	rddreg [dreg:$0x1];
	s15 =	smul.u32 $0x64000, s13  }
0x3: {  	s2 =	srdreg.scid;
	s19 =	smul.u32 $0x320000, s13  }
0x4: {  	s2 =	sand.u32 $0x1, s2;
	s4 =	sshll.u32 s13, $0x1;
	s13 =	smul.u32 $0xC800, s13  }
0x5: {  	s3 =	simm.s32 $0x0;
	s30 =	simm.s32 $0x6280;
	s17 =	smul.u32 $0x32000, s2  }
0x6: {  	s31 =	simm.s32 $0x200;
	[smem:$0x7FF] =	sst s3;
	s20 =	smul.u32 $0x190000, s2  }
0x7: {  	s5 =	sor.u32 s2, s4;
	s8 =	ssub.s32 $0x2, s2;
	s2 =	smul.u32 $0x6400, s2  }
0x8: {  	s6 =	sadd.s32 $0x19C00, s0;
	s7 =	sadd.s32 $0x1DC00, s0;
	s12 =	smul.u32 $0x6400, s5  }
0x9: {  	_ =	strace $0x80000047;
	s25 =	sshrl.u32 s8, $0x1;
	s10 =	smul.u32 $0x32000, s5  }
0xa: {  	s4 =	sadd.s32 $0xC00, s0;
	s5 =	smul.u32 $0x190000, s5;
	s0 =	ssub.s32 s8, s25  }
0xb: {  	s22 =	sadd.s32 s17, s15;
	s2 =	sadd.s32 s2, s13;
	s17 =	simm.s32 $0x80  }
0xc: {  	s13 =	simm.s32 $0x0;
	s9 =	sshrl.u32 s12, $0x3;
	s11 =	sor.u32 $0x80, s12  }
0xd: {  	s29 =	sadd.s32 s1, s10;
	s14 =	sadd.s32 $0x3FFFF80, s12;
	[dreg:$0xc] =	wrdreg s12  }
0xe: {  	s16 =	sor.u32 $0x200, s12;
	s18 =	sor.u32 $0x280, s12;
	[dreg:$0xe] =	wrdreg s29  }
0xf: {  	s5 =	sshrl.u32 s5, $0x3;
	s2 =	sor.u32 $0x100, s2;
	[dreg:$0x4] =	wrdreg s14  }
0x10: {  	s0 =	smax.u32 s0, $0x1;
	s26 =	sadd.s32 s4, s9;
	[dreg:$0x5] =	wrdreg s16  }
0x11: {  	s28 =	sshrl.u32 s11, $0x3;
	s10 =	sshll.u32 s11, $0x3;
	[dreg:$0x6] =	wrdreg s18  }
0x12: {  	s11 =	sor.u32 $0x180, s12;
	s12 =	sor.u32 $0x300, s12;
	[dreg:$0x13] =	wrdreg s0  }
0x13: {  	s5 =	sadd.s32 s7, s5;
	s25 =	sshll.u32 s2, $0x3;
	[dreg:$0xd] =	wrdreg s26  }
0x14: {  	s2 =	sshrl.u32 s2, $0x3;
	s9 =	simm.s32 $0xC;
	[dreg:$0x3] =	wrdreg s11  }
0x15: {  	s8 =	sadd.s32 s4, s28;
	[dreg:$0x7] =	wrdreg s12;
	s21 =	sadd.s32 $0x31800, s5  }
0x16: {  	s5 =	sadd.s32 $0x31C00, s5;
	s26 =	sadd.s32 s25, s1;
	[dreg:$0xf] =	wrdreg s8  }
0x17: {  	s29 =	sadd.s32 s2, s4;
	s2 =	simm.s32 $0x4;
	[dreg:$0x11] =	wrdreg s21  }
0x18: {  	s11 =	simm.s32 $0xA;
	s8 =	sadd.s32 s1, s10;
	[dreg:$0x12] =	wrdreg s5  }
0x19: {  	s12 =	simm.s32 $0xD;
	[dreg:$0x10] =	wrdreg s8;
	s8 =	sadd.s32 s20, s19  }
0x1a: {  	s5 =	sadd.s32 $0x1FFFF800, s22;
	[dreg:$0xa] =	wrdreg s26;
	s23 =	sor.u32 $0x4000, s8  }
0x1b: {  	[dreg:$0x14] =	wrdreg s29;
	s8 =	sor.u32 $0x2000, s8;
	s24 =	sshrl.u32 s23, $0x3  }
0x1c: {  	[dreg:$0x8] =	wrdreg s5;
	s8 =	sshrl.u32 s8, $0x3;
	s5 =	sadd.s32 s24, s7  }
0x1d: {  	s10 =	simm.s32 $0x5;
	s28 =	sadd.s32 s8, s7;
	[dreg:$0x9] =	wrdreg s5  }
0x1e: {  	s26 =	simm.s32 $0x180;
	s8 =	simm.s32 $0x9;
	[dreg:$0xb] =	wrdreg s28  }
.LBB2_1:
0x1f: {  	[dreg:$0x15] =	wrdreg s13  }
0x20: {  	s5 =	rddreg [dreg:$0xd]  }
0x21: {  	[tilespmem:s3], [sflag:$0x1] =	stream.linear.gather [hbm4b:s5+s3], $0x80, $0x38;
	[tilespmem:$0xA280] =	vst v63  }
0x22: {  	s19 =	rddreg [dreg:$0xe];
	s18 =	simm.s32 $0x280;
	p0 =	por $0x1, $0x1  }
0x23: {  	[tilespmem:s18], [sflag:$0x6] =	stream.linear.gather [hbm4b:s19+s3], $0x2000, $0x38;
	[tilespmem:$0xA280] =	vst v63  }
0x24: {  	s20 =	rddreg [dreg:$0xf];
	p0 =	por p0, p0  }
0x25: {  	[tilespmem:s17], [sflag:$0x2] =	stream.linear.gather [hbm4b:s20+s3], $0x80, $0x38;
	[tilespmem:$0xA280] =	vst v63  }
0x26: {  	s21 =	rddreg [dreg:$0x10];
	s5 =	simm.s32 @!p0 $0x12;
	s19 =	simm.s32 $0x2280  }
0x27: {  	[tilespmem:s19], [sflag:$0x7] =	stream.linear.gather [hbm4b:s21+s3], $0x2000, $0x38;
	[tilespmem:$0xA280] =	vst v63  }
0x28: {  	_ =	swait.ge @!p0 [sflag:s5], $0x2000  }
0x29: {  	[sflag:s5] =	ssyncset.done @!p0 $0x0;
	s22 =	rddreg [dreg:$0xa]  }
0x2a: {  	s20 =	simm.s32 $0x100;
	s23 =	rddreg [dreg:$0x14];
	[sflag:s5] =	ssyncadd.s32 @!p0 $0xFFFFE000  }
0x2b: {  	[tilespmem:s20], [sflag:$0x3] =	stream.linear.gather [hbm4b:s23+s3], $0x80, $0x38;
	[tilespmem:$0xA280] =	vst v63  }
0x2c: {  	s25 =	simm.s32 $0x1;
	s21 =	simm.s32 $0x4280;
	s24 =	sadd.s32 $0x0, s22  }
0x2d: {  	[tilespmem:s21], [sflag:$0x8] =	stream.linear.gather [hbm4b:s24+s3], $0x2000, $0x38;
	[tilespmem:$0xA280] =	vst v63  }
0x2e: {  	_ =	swait.ge [sflag:s25], $0x80  }
0x2f: {  	[sflag:s25] =	ssyncset.done $0x0  }
0x30: {  	s28 =	simm.s32 $0x6;
	[sflag:s25] =	ssyncadd.s32 $0xFFFFFF80  }
0x31: {  	_ =	swait.ge [sflag:s28], $0x2000  }
0x32: {  	[sflag:s28] =	ssyncset.done $0x0  }
0x33: {  	s5 =	simm.s32 @!p0 $0xE;
	[sflag:s28] =	ssyncadd.s32 $0xFFFFE000  }
0x34: {  	[tilespmem:s18], [sflag:$0xB] =	stream.indirect.gather.add.f32 [hbm:s6], $0x40, s3, s17, $0xb8;
	[tilespmem:$0xA280] =	vst v63  }
0x35: {  	_ =	swait.ge @!p0 [sflag:s5], $0x2000  }
0x36: {  	s13 =	rddreg [dreg:$0x8]  }
0x37: {  	s14 =	simm.s32 @!p0 $0x13;
	s13 =	sadd.s32 @!p0 $0x0, s13  }
0x38: {  	s15 =	simm.s32 @!p0 $0x6280;
	[sflag:s5] =	ssyncset.done @!p0 $0x0;
	s13 =	sand.u32 @!p0 $0x1FFFFC00, s13  }
0x39: {  	[sflag:s5] =	ssyncadd.s32 @!p0 $0xFFFFE000;
	s5 =	sadd.s32 @!p0 s7, s13;
	s13 =	simm.s32 @!p0 $0x0  }
0x3a: {  	[hbm4b:s5+s13] =	stream.linear.scatter @!p0 [tilespmem:s15], [sflag:$0x13], $0x2000, $0x38;
	[tilespmem:$0xA280] =	vst v63  }
0x3b: {  	s5 =	simm.s32 $0x0;
	_ =	swait.ge @!p0 [sflag:s14], $0x2000  }
0x3c: {  	s5 =	simm.s32 @p0 $0x0;
	s29 =	rddreg [dreg:$0x3]  }
0x3d: {  	s22 =	simm.s32 $0x180;
	s15 =	sadd.s32 s5, s29  }
0x3e: {  	[sflag:s14] =	ssyncset.done @!p0 $0x0;
	s16 =	sshrl.u32 s15, $0x3;
	s15 =	sshll.u32 s15, $0x3  }
0x3f: {  	[sflag:s14] =	ssyncadd.s32 @!p0 $0xFFFFE000;
	s0 =	sadd.s32 s4, s16;
	s15 =	sand.u32 $0x1FFFFC00, s15  }
0x40: {  	[tilespmem:s22], [sflag:$0x4] =	stream.linear.gather [hbm4b:s0+s3], $0x80, $0x38;
	[tilespmem:$0xA280] =	vst v63  }
0x41: {  	s24 =	simm.s32 $0x6280;
	s25 =	simm.s32 $0x2;
	s16 =	sadd.s32 s1, s15  }
0x42: {  	[tilespmem:s24], [sflag:$0x9] =	stream.linear.gather [hbm4b:s16+s3], $0x2000, $0x38;
	[tilespmem:$0xA280] =	vst v63  }
0x43: {  	_ =	swait.ge [sflag:s25], $0x80  }
0x44: {  	[sflag:s25] =	ssyncset.done $0x0  }
0x45: {  	s28 =	simm.s32 $0x7;
	[sflag:s25] =	ssyncadd.s32 $0xFFFFFF80  }
0x46: {  	_ =	swait.ge [sflag:s28], $0x2000  }
0x47: {  	[sflag:s28] =	ssyncset.done $0x0  }
0x48: {  	s14 =	simm.s32 @!p0 $0xF;
	[sflag:s28] =	ssyncadd.s32 $0xFFFFE000  }
0x49: {  	[tilespmem:s19], [sflag:$0xC] =	stream.indirect.gather.add.f32 [hbm:s6], $0x40, s17, s17, $0xb8;
	[tilespmem:$0xA280] =	vst v63  }
0x4a: {  	_ =	swait.ge @!p0 [sflag:s14], $0x2000  }
0x4b: {  	s15 =	rddreg [dreg:$0x4]  }
0x4c: {  	s15 =	sadd.s32 @!p0 s5, s15  }
0x4d: {  	s15 =	sshll.u32 @!p0 s15, $0x3  }
0x4e: {  	s16 =	simm.s32 @!p0 $0x14;
	[sflag:s14] =	ssyncset.done @!p0 $0x0;
	s15 =	sand.u32 @!p0 $0x1FFFFC00, s15  }
0x4f: {  	[sflag:s14] =	ssyncadd.s32 @!p0 $0xFFFFE000;
	s14 =	sadd.s32 @!p0 s7, s15;
	s15 =	simm.s32 @!p0 $0x8280  }
0x50: {  	[hbm4b:s14+s13] =	stream.linear.scatter @!p0 [tilespmem:s15], [sflag:$0x14], $0x2000, $0x38;
	[tilespmem:$0xA280] =	vst v63  }
0x51: {  	_ =	swait.ge @!p0 [sflag:s16], $0x2000  }
0x52: {  	s29 =	rddreg [dreg:$0x5]  }
0x53: {  	s25 =	simm.s32 $0x200;
	s13 =	sadd.s32 s5, s29  }
0x54: {  	[sflag:s16] =	ssyncset.done @!p0 $0x0;
	s0 =	sshrl.u32 s13, $0x3;
	s13 =	sshll.u32 s13, $0x3  }
0x55: {  	[sflag:s16] =	ssyncadd.s32 @!p0 $0xFFFFE000;
	s14 =	sadd.s32 s4, s0;
	s13 =	sand.u32 $0x1FFFFC00, s13  }
0x56: {  	[tilespmem:s25], [sflag:$0x5] =	stream.linear.gather [hbm4b:s14+s3], $0x80, $0x38;
	[tilespmem:$0xA280] =	vst v63  }
0x57: {  	s15 =	simm.s32 $0x3;
	s0 =	simm.s32 $0x8280;
	s13 =	sadd.s32 s1, s13  }
0x58: {  	[tilespmem:s0], [sflag:$0xA] =	stream.linear.gather [hbm4b:s13+s3], $0x2000, $0x38;
	[tilespmem:$0xA280] =	vst v63  }
0x59: {  	_ =	swait.ge [sflag:s15], $0x80  }
0x5a: {  	[sflag:s15] =	ssyncset.done $0x0  }
0x5b: {  	s16 =	simm.s32 $0x8;
	[sflag:s15] =	ssyncadd.s32 $0xFFFFFF80  }
0x5c: {  	_ =	swait.ge [sflag:s16], $0x2000  }
0x5d: {  	[sflag:s16] =	ssyncset.done $0x0  }
0x5e: {  	[sflag:s16] =	ssyncadd.s32 $0xFFFFE000  }
0x5f: {  	[tilespmem:s21], [sflag:$0xD] =	stream.indirect.gather.add.f32 [hbm:s6], $0x40, s20, s17, $0xb8;
	[tilespmem:$0xA280] =	vst v63  }
0x60: {  	s28 =	simm.s32 $0xB;
	s21 =	rddreg [dreg:$0xc]  }
0x61: {  	s13 =	sadd.s32 s21, s5;
	_ =	swait.ge [sflag:s28], $0x2000  }
0x62: {  	[sflag:s28] =	ssyncset.done $0x0;
	s13 =	sshll.u32 s13, $0x3  }
0x63: {  	p0 =	por $0x0, $0x0;
	[sflag:s28] =	ssyncadd.s32 $0xFFFFE000;
	s13 =	sadd.s32 s7, s13  }
0x64: {  	[hbm4b:s13+s3] =	stream.linear.scatter [tilespmem:s18], [sflag:$0x10], $0x2000, $0x38;
	[tilespmem:$0xA280] =	vst v63  }
0x65: {  	s13 =	simm.s32 @!p0 $0x10  }
0x66: {  	_ =	swait.ge @!p0 [sflag:s13], $0x2000  }
0x67: {  	s14 =	rddreg [dreg:$0x6]  }
0x68: {  	[sflag:s13] =	ssyncset.done @!p0 $0x0;
	s14 =	sadd.s32 @!p0 s5, s14  }
0x69: {  	[sflag:s13] =	ssyncadd.s32 @!p0 $0xFFFFE000;
	s13 =	sshrl.u32 @!p0 s14, $0x3;
	s14 =	sshll.u32 @!p0 s14, $0x3  }
0x6a: {  	s15 =	simm.s32 @!p0 $0x0;
	s13 =	sadd.s32 @!p0 s4, s13;
	s14 =	sand.u32 @!p0 $0x1FFFFC00, s14  }
0x6b: {  	[tilespmem:s15], [sflag:$0x1] =	stream.linear.gather @!p0 [hbm4b:s13+s15], $0x80, $0x38;
	[tilespmem:$0xA280] =	vst v63  }
0x6c: {  	s13 =	simm.s32 @!p0 $0x280;
	s14 =	sadd.s32 @!p0 s1, s14  }
0x6d: {  	[tilespmem:s13], [sflag:$0x6] =	stream.linear.gather @!p0 [hbm4b:s14+s15], $0x2000, $0x38;
	[tilespmem:$0xA280] =	vst v63  }
0x6e: {  	_ =	swait.ge [sflag:s2], $0x80  }
0x6f: {  	[sflag:s2] =	ssyncset.done $0x0  }
0x70: {  	[sflag:s2] =	ssyncadd.s32 $0xFFFFFF80  }
0x71: {  	_ =	swait.ge [sflag:s8], $0x2000  }
0x72: {  	[sflag:s8] =	ssyncset.done $0x0  }
0x73: {  	[sflag:s8] =	ssyncadd.s32 $0xFFFFE000  }
0x74: {  	[tilespmem:s24], [sflag:$0xE] =	stream.indirect.gather.add.f32 [hbm:s6], $0x40, s22, s17, $0xb8;
	[tilespmem:$0xA280] =	vst v63  }
0x75: {  	_ =	swait.ge [sflag:s9], $0x2000  }
0x76: {  	s29 =	rddreg [dreg:$0xb];
	[sflag:s9] =	ssyncset.done $0x0  }
0x77: {  	s14 =	simm.s32 @!p0 $0x11;
	[sflag:s9] =	ssyncadd.s32 $0xFFFFE000;
	s13 =	sadd.s32 $0x0, s29  }
0x78: {  	[hbm4b:s13+s3] =	stream.linear.scatter [tilespmem:s19], [sflag:$0x11], $0x2000, $0x38;
	[tilespmem:$0xA280] =	vst v63  }
0x79: {  	_ =	swait.ge @!p0 [sflag:s14], $0x2000  }
0x7a: {  	s13 =	rddreg [dreg:$0x7]  }
0x7b: {  	[sflag:s14] =	ssyncset.done @!p0 $0x0;
	s5 =	sadd.s32 @!p0 s5, s13  }
0x7c: {  	s13 =	simm.s32 @!p0 $0x80;
	s16 =	sshrl.u32 @!p0 s5, $0x3;
	s5 =	sshll.u32 @!p0 s5, $0x3  }
0x7d: {  	[sflag:s14] =	ssyncadd.s32 @!p0 $0xFFFFE000;
	s14 =	sadd.s32 @!p0 s4, s16;
	s5 =	sand.u32 @!p0 $0x1FFFFC00, s5  }
0x7e: {  	[tilespmem:s13], [sflag:$0x2] =	stream.linear.gather @!p0 [hbm4b:s14+s15], $0x80, $0x38;
	[tilespmem:$0xA280] =	vst v63  }
0x7f: {  	s13 =	simm.s32 @!p0 $0x2280;
	s5 =	sadd.s32 @!p0 s1, s5  }
0x80: {  	[tilespmem:s13], [sflag:$0x7] =	stream.linear.gather @!p0 [hbm4b:s5+s15], $0x2000, $0x38;
	[tilespmem:$0xA280] =	vst v63  }
0x81: {  	_ =	swait.ge [sflag:s10], $0x80  }
0x82: {  	[sflag:s10] =	ssyncset.done $0x0  }
0x83: {  	[sflag:s10] =	ssyncadd.s32 $0xFFFFFF80  }
0x84: {  	_ =	swait.ge [sflag:s11], $0x2000  }
0x85: {  	p6 =	por $0x0, $0x0;
	[sflag:s11] =	ssyncset.done $0x0  }
0x86: {  	s18 =	simm.s32 $0x280;
	s16 =	simm.s32 $0x0;
	[sflag:s11] =	ssyncadd.s32 $0xFFFFE000  }
0x87: {  	[tilespmem:s0], [sflag:$0xF] =	stream.indirect.gather.add.f32 [hbm:s6], $0x40, s25, s17, $0xb8;
	[tilespmem:$0xA280] =	vst v63  }
0x88: {  	s14 =	sadd.s32 $0x50, s23;
	s13 =	simm.s32 $0x1400;
	_ =	swait.ge [sflag:s12], $0x2000  }
0x89: {  	s5 =	simm.s32 $0x2800;
	p0 =	por p6, p6;
	[sflag:s12] =	ssyncset.done $0x0  }
0x8a: {  	s15 =	simm.s32 @!p0 $0x12;
	s19 =	rddreg [dreg:$0x9];
	[sflag:s12] =	ssyncadd.s32 $0xFFFFE000  }
.LBB2_2:
0x8b: {  	s19 =	sadd.s32 s16, s19;
	s25 =	simm.s32 $0x4280  }
0x8c: {  	[hbm4b:s19+s3] =	stream.linear.scatter [tilespmem:s25], [sflag:$0x12], $0x2000, $0x38;
	[tilespmem:$0xA280] =	vst v63  }
0x8d: {  	_ =	swait.ge @!p0 [sflag:s15], $0x2000  }
0x8e: {  	s16 =	smov.u32 s13;
	[sflag:s15] =	ssyncset.done @!p0 $0x0  }
0x8f: {  	s22 =	simm.s32 $0x100;
	s23 =	rddreg [dreg:$0xa];
	[sflag:s15] =	ssyncadd.s32 @!p0 $0xFFFFE000  }
0x90: {  	[tilespmem:s22], [sflag:$0x3] =	stream.linear.gather [hbm4b:s14+s3], $0x80, $0x38;
	[tilespmem:$0xA280] =	vst v63  }
0x91: {  	s28 =	simm.s32 $0x1;
	s24 =	sadd.s32 s16, s23  }
0x92: {  	[tilespmem:s25], [sflag:$0x8] =	stream.linear.gather [hbm4b:s24+s3], $0x2000, $0x38;
	[tilespmem:$0xA280] =	vst v63  }
0x93: {  	_ =	swait.ge [sflag:s28], $0x80  }
0x94: {  	[sflag:s28] =	ssyncset.done $0x0  }
0x95: {  	s29 =	simm.s32 $0x6;
	[sflag:s28] =	ssyncadd.s32 $0xFFFFFF80  }
0x96: {  	_ =	swait.ge [sflag:s29], $0x2000  }
0x97: {  	[sflag:s29] =	ssyncset.done $0x0  }
0x98: {  	s20 =	simm.s32 $0x280;
	s15 =	simm.s32 @!p0 $0xE;
	[sflag:s29] =	ssyncadd.s32 $0xFFFFE000  }
0x99: {  	[tilespmem:s20], [sflag:$0xB] =	stream.indirect.gather.add.f32 [hbm:s6], $0x40, s3, s17, $0xb8;
	[tilespmem:$0xA280] =	vst v63  }
0x9a: {  	_ =	swait.ge @!p0 [sflag:s15], $0x2000  }
0x9b: {  	s19 =	rddreg [dreg:$0x8]  }
0x9c: {  	s23 =	simm.s32 @!p0 $0x13;
	s19 =	sadd.s32 @!p0 s16, s19  }
0x9d: {  	s24 =	simm.s32 @!p0 $0x6280;
	[sflag:s15] =	ssyncset.done @!p0 $0x0;
	s19 =	sand.u32 @!p0 $0x1FFFFC00, s19  }
0x9e: {  	s28 =	simm.s32 @!p0 $0x0;
	[sflag:s15] =	ssyncadd.s32 @!p0 $0xFFFFE000;
	s15 =	sadd.s32 @!p0 s7, s19  }
0x9f: {  	[hbm4b:s15+s28] =	stream.linear.scatter @!p0 [tilespmem:s24], [sflag:$0x13], $0x2000, $0x38;
	[tilespmem:$0xA280] =	vst v63  }
0xa0: {  	s15 =	smov.u32 s18;
	_ =	swait.ge @!p0 [sflag:s23], $0x2000  }
0xa1: {  	s15 =	simm.s32 @p0 $0x0;
	s0 =	rddreg [dreg:$0x3]  }
0xa2: {  	s29 =	rddreg [dreg:$0xc];
	[sflag:s23] =	ssyncset.done @!p0 $0x0;
	s21 =	sadd.s32 s15, s0  }
0xa3: {  	s19 =	sadd.s32 s29, s15;
	s29 =	sshrl.u32 s21, $0x3;
	s24 =	sshll.u32 s21, $0x3  }
0xa4: {  	[sflag:s23] =	ssyncadd.s32 @!p0 $0xFFFFE000;
	s0 =	sadd.s32 s4, s29;
	s24 =	sand.u32 $0x1FFFFC00, s24  }
0xa5: {  	[tilespmem:s26], [sflag:$0x4] =	stream.linear.gather [hbm4b:s0+s3], $0x80, $0x38;
	[tilespmem:$0xA280] =	vst v63  }
0xa6: {  	s21 =	sadd.s32 s1, s24  }
0xa7: {  	[tilespmem:s30], [sflag:$0x9] =	stream.linear.gather [hbm4b:s21+s3], $0x2000, $0x38;
	[tilespmem:$0xA280] =	vst v63  }
0xa8: {  	s21 =	simm.s32 $0x2  }
0xa9: {  	_ =	swait.ge [sflag:s21], $0x80  }
0xaa: {  	[sflag:s21] =	ssyncset.done $0x0  }
0xab: {  	s23 =	simm.s32 $0x7;
	[sflag:s21] =	ssyncadd.s32 $0xFFFFFF80  }
0xac: {  	_ =	swait.ge [sflag:s23], $0x2000  }
0xad: {  	[sflag:s23] =	ssyncset.done $0x0  }
0xae: {  	s21 =	simm.s32 $0x2280;
	[sflag:s23] =	ssyncadd.s32 $0xFFFFE000;
	s23 =	simm.s32 @!p0 $0xF  }
0xaf: {  	[tilespmem:s21], [sflag:$0xC] =	stream.indirect.gather.add.f32 [hbm:s6], $0x40, s17, s17, $0xb8;
	[tilespmem:$0xA280] =	vst v63  }
0xb0: {  	_ =	swait.ge @!p0 [sflag:s23], $0x2000  }
0xb1: {  	s24 =	rddreg [dreg:$0x4]  }
0xb2: {  	s24 =	sadd.s32 @!p0 s15, s24  }
0xb3: {  	s24 =	sshll.u32 @!p0 s24, $0x3  }
0xb4: {  	s29 =	simm.s32 @!p0 $0x14;
	[sflag:s23] =	ssyncset.done @!p0 $0x0;
	s24 =	sand.u32 @!p0 $0x1FFFFC00, s24  }
0xb5: {  	[sflag:s23] =	ssyncadd.s32 @!p0 $0xFFFFE000;
	s23 =	sadd.s32 @!p0 s7, s24;
	s24 =	simm.s32 @!p0 $0x8280  }
0xb6: {  	[hbm4b:s23+s28] =	stream.linear.scatter @!p0 [tilespmem:s24], [sflag:$0x14], $0x2000, $0x38;
	[tilespmem:$0xA280] =	vst v63  }
0xb7: {  	_ =	swait.ge @!p0 [sflag:s29], $0x2000  }
0xb8: {  	s24 =	rddreg [dreg:$0x5]  }
0xb9: {  	s23 =	sadd.s32 s15, s24  }
0xba: {  	[sflag:s29] =	ssyncset.done @!p0 $0x0;
	s28 =	sshrl.u32 s23, $0x3;
	s23 =	sshll.u32 s23, $0x3  }
0xbb: {  	[sflag:s29] =	ssyncadd.s32 @!p0 $0xFFFFE000;
	s24 =	sadd.s32 s4, s28;
	s23 =	sand.u32 $0x1FFFFC00, s23  }
0xbc: {  	[tilespmem:s31], [sflag:$0x5] =	stream.linear.gather [hbm4b:s24+s3], $0x80, $0x38;
	[tilespmem:$0xA280] =	vst v63  }
0xbd: {  	s0 =	simm.s32 $0x8280;
	s29 =	simm.s32 $0x3;
	s23 =	sadd.s32 s1, s23  }
0xbe: {  	[tilespmem:s0], [sflag:$0xA] =	stream.linear.gather [hbm4b:s23+s3], $0x2000, $0x38;
	[tilespmem:$0xA280] =	vst v63  }
0xbf: {  	_ =	swait.ge [sflag:s29], $0x80  }
0xc0: {  	[sflag:s29] =	ssyncset.done $0x0  }
0xc1: {  	s24 =	simm.s32 $0x8;
	[sflag:s29] =	ssyncadd.s32 $0xFFFFFF80  }
0xc2: {  	_ =	swait.ge [sflag:s24], $0x2000  }
0xc3: {  	[sflag:s24] =	ssyncset.done $0x0  }
0xc4: {  	s28 =	simm.s32 $0xB;
	[sflag:s24] =	ssyncadd.s32 $0xFFFFE000  }
0xc5: {  	[tilespmem:s25], [sflag:$0xD] =	stream.indirect.gather.add.f32 [hbm:s6], $0x40, s22, s17, $0xb8;
	[tilespmem:$0xA280] =	vst v63  }
0xc6: {  	s19 =	sshll.u32 s19, $0x3;
	_ =	swait.ge [sflag:s28], $0x2000  }
0xc7: {  	p2 =	seq.s32 s5, $0x0;
	s19 =	sadd.s32 s7, s19;
	[sflag:s28] =	ssyncset.done $0x0  }
0xc8: {  	p0 =	por p2, p2;
	p2 =	seq.s32 s16, $0x30C00;
	[sflag:s28] =	ssyncadd.s32 $0xFFFFE000  }
0xc9: {  	[hbm4b:s19+s3] =	stream.linear.scatter [tilespmem:s20], [sflag:$0x10], $0x2000, $0x38;
	[tilespmem:$0xA280] =	vst v63  }
0xca: {  	s19 =	simm.s32 @!p2 $0x10  }
0xcb: {  	_ =	swait.ge @!p2 [sflag:s19], $0x2000  }
0xcc: {  	[sflag:s19] =	ssyncset.done @!p2 $0x0;
	s23 =	rddreg [dreg:$0x6]  }
0xcd: {  	[sflag:s19] =	ssyncadd.s32 @!p2 $0xFFFFE000;
	s19 =	sadd.s32 @!p2 s15, s23  }
0xce: {  	s23 =	sshrl.u32 @!p2 s19, $0x3;
	s19 =	sshll.u32 @!p2 s19, $0x3  }
0xcf: {  	s28 =	simm.s32 @!p2 $0x0;
	s23 =	sadd.s32 @!p2 s4, s23;
	s19 =	sand.u32 @!p2 $0x1FFFFC00, s19  }
0xd0: {  	[tilespmem:s28], [sflag:$0x1] =	stream.linear.gather @!p2 [hbm4b:s23+s28], $0x80, $0x38;
	[tilespmem:$0xA280] =	vst v63  }
0xd1: {  	s24 =	simm.s32 @!p2 $0x280;
	s19 =	sadd.s32 @!p2 s1, s19  }
0xd2: {  	[tilespmem:s24], [sflag:$0x6] =	stream.linear.gather @!p2 [hbm4b:s19+s28], $0x2000, $0x38;
	[tilespmem:$0xA280] =	vst v63  }
0xd3: {  	_ =	swait.ge [sflag:s2], $0x80  }
0xd4: {  	[sflag:s2] =	ssyncset.done $0x0  }
0xd5: {  	[sflag:s2] =	ssyncadd.s32 $0xFFFFFF80  }
0xd6: {  	_ =	swait.ge [sflag:s8], $0x2000  }
0xd7: {  	[sflag:s8] =	ssyncset.done $0x0  }
0xd8: {  	[sflag:s8] =	ssyncadd.s32 $0xFFFFE000  }
0xd9: {  	[tilespmem:s30], [sflag:$0xE] =	stream.indirect.gather.add.f32 [hbm:s6], $0x40, s26, s17, $0xb8;
	[tilespmem:$0xA280] =	vst v63  }
0xda: {  	_ =	swait.ge [sflag:s9], $0x2000  }
0xdb: {  	s29 =	rddreg [dreg:$0xb];
	[sflag:s9] =	ssyncset.done $0x0  }
0xdc: {  	s23 =	simm.s32 @!p2 $0x11;
	[sflag:s9] =	ssyncadd.s32 $0xFFFFE000;
	s19 =	sadd.s32 s16, s29  }
0xdd: {  	[hbm4b:s19+s3] =	stream.linear.scatter [tilespmem:s21], [sflag:$0x11], $0x2000, $0x38;
	[tilespmem:$0xA280] =	vst v63  }
0xde: {  	_ =	swait.ge @!p2 [sflag:s23], $0x2000  }
0xdf: {  	s19 =	rddreg [dreg:$0x7]  }
0xe0: {  	[sflag:s23] =	ssyncset.done @!p2 $0x0;
	s15 =	sadd.s32 @!p2 s15, s19  }
0xe1: {  	s19 =	simm.s32 @!p2 $0x80;
	s29 =	sshrl.u32 @!p2 s15, $0x3;
	s15 =	sshll.u32 @!p2 s15, $0x3  }
0xe2: {  	[sflag:s23] =	ssyncadd.s32 @!p2 $0xFFFFE000;
	s23 =	sadd.s32 @!p2 s4, s29;
	s15 =	sand.u32 @!p2 $0x1FFFFC00, s15  }
0xe3: {  	[tilespmem:s19], [sflag:$0x2] =	stream.linear.gather @!p2 [hbm4b:s23+s28], $0x80, $0x38;
	[tilespmem:$0xA280] =	vst v63  }
0xe4: {  	s24 =	simm.s32 @!p2 $0x2280;
	s15 =	sadd.s32 @!p2 s1, s15  }
0xe5: {  	[tilespmem:s24], [sflag:$0x7] =	stream.linear.gather @!p2 [hbm4b:s15+s28], $0x2000, $0x38;
	[tilespmem:$0xA280] =	vst v63  }
0xe6: {  	_ =	swait.ge [sflag:s10], $0x80  }
0xe7: {  	[sflag:s10] =	ssyncset.done $0x0  }
0xe8: {  	[sflag:s10] =	ssyncadd.s32 $0xFFFFFF80  }
0xe9: {  	s13 =	smov.u32 s5;
	s5 =	sadd.s32 $0x1400, s5;
	_ =	swait.ge [sflag:s11], $0x2000  }
0xea: {  	p1 =	sne.s32 s5, $0x32000;
	[sflag:s11] =	ssyncset.done $0x0  }
.Ltmp0:
0xeb: {  	[sflag:s11] =	ssyncadd.s32 $0xFFFFE000;
	(pc) =	sbr.rel @p1 .LBB2_2-.Ltmp0, $4  }
0xec: {  	[tilespmem:s0], [sflag:$0xF] =	stream.indirect.gather.add.f32 [hbm:s6], $0x40, s31, s17, $0xb8;
	[tilespmem:$0xA280] =	vst v63  }
0xed: {  	_ =	swait.ge [sflag:s12], $0x2000  }
0xee: {  	s14 =	sadd.s32 $0x50, s14;
	s18 =	sadd.s32 $0x280, s18;
	[sflag:s12] =	ssyncset.done $0x0  }
0xef: {  	s15 =	simm.s32 @!p0 $0x12;
	s19 =	rddreg [dreg:$0x9];
	[sflag:s12] =	ssyncadd.s32 $0xFFFFE000  }
0xf0: {  	s5 =	sadd.s32 s16, s19;
	s21 =	simm.s32 $0x4280  }
0xf1: {  	[hbm4b:s5+s3] =	stream.linear.scatter [tilespmem:s21], [sflag:$0x12], $0x2000, $0x38;
	[tilespmem:$0xA280] =	vst v63  }
0xf2: {  	_ =	swait.ge @!p0 [sflag:s15], $0x2000  }
0xf3: {  	[sflag:s15] =	ssyncset.done @!p0 $0x0  }
0xf4: {  	s20 =	simm.s32 $0x100;
	s0 =	rddreg [dreg:$0xa];
	[sflag:s15] =	ssyncadd.s32 @!p0 $0xFFFFE000  }
0xf5: {  	[tilespmem:s20], [sflag:$0x3] =	stream.linear.gather [hbm4b:s14+s3], $0x80, $0x38;
	[tilespmem:$0xA280] =	vst v63  }
0xf6: {  	s5 =	sadd.s32 s13, s0;
	s14 =	simm.s32 $0x1  }
0xf7: {  	[tilespmem:s21], [sflag:$0x8] =	stream.linear.gather [hbm4b:s5+s3], $0x2000, $0x38;
	[tilespmem:$0xA280] =	vst v63  }
0xf8: {  	_ =	swait.ge [sflag:s14], $0x80  }
0xf9: {  	[sflag:s14] =	ssyncset.done $0x0  }
0xfa: {  	s15 =	simm.s32 $0x6;
	[sflag:s14] =	ssyncadd.s32 $0xFFFFFF80  }
0xfb: {  	_ =	swait.ge [sflag:s15], $0x2000  }
0xfc: {  	[sflag:s15] =	ssyncset.done $0x0  }
0xfd: {  	s19 =	simm.s32 $0x280;
	s5 =	simm.s32 @!p0 $0xE;
	[sflag:s15] =	ssyncadd.s32 $0xFFFFE000  }
0xfe: {  	[tilespmem:s19], [sflag:$0xB] =	stream.indirect.gather.add.f32 [hbm:s6], $0x40, s3, s17, $0xb8;
	[tilespmem:$0xA280] =	vst v63  }
0xff: {  	_ =	swait.ge @!p0 [sflag:s5], $0x2000  }
0x100: {  	s14 =	rddreg [dreg:$0x8]  }
0x101: {  	s16 =	simm.s32 @!p0 $0x6280;
	s14 =	sadd.s32 @!p0 s13, s14  }
0x102: {  	s15 =	simm.s32 @!p0 $0x13;
	[sflag:s5] =	ssyncset.done @!p0 $0x0;
	s14 =	sand.u32 @!p0 $0x1FFFFC00, s14  }
0x103: {  	[sflag:s5] =	ssyncadd.s32 @!p0 $0xFFFFE000;
	s5 =	sadd.s32 @!p0 s7, s14;
	s14 =	simm.s32 @!p0 $0x0  }
0x104: {  	[hbm4b:s5+s14] =	stream.linear.scatter @!p0 [tilespmem:s16], [sflag:$0x13], $0x2000, $0x38;
	[tilespmem:$0xA280] =	vst v63  }
0x105: {  	_ =	swait.ge @!p0 [sflag:s15], $0x2000  }
0x106: {  	s18 =	simm.s32 @p0 $0x0;
	s16 =	rddreg [dreg:$0x3]  }
0x107: {  	[sflag:s15] =	ssyncset.done @!p0 $0x0;
	s5 =	sadd.s32 s18, s16  }
0x108: {  	[sflag:s15] =	ssyncadd.s32 @!p0 $0xFFFFE000;
	s22 =	sshrl.u32 s5, $0x3;
	s5 =	sshll.u32 s5, $0x3  }
0x109: {  	s23 =	sadd.s32 s4, s22;
	s5 =	sand.u32 $0x1FFFFC00, s5;
	s22 =	simm.s32 $0x180  }
0x10a: {  	[tilespmem:s22], [sflag:$0x4] =	stream.linear.gather [hbm4b:s23+s3], $0x80, $0x38;
	[tilespmem:$0xA280] =	vst v63  }
0x10b: {  	s24 =	simm.s32 $0x2;
	s5 =	sadd.s32 s1, s5;
	s23 =	simm.s32 $0x6280  }
0x10c: {  	[tilespmem:s23], [sflag:$0x9] =	stream.linear.gather [hbm4b:s5+s3], $0x2000, $0x38;
	[tilespmem:$0xA280] =	vst v63  }
0x10d: {  	_ =	swait.ge [sflag:s24], $0x80  }
0x10e: {  	[sflag:s24] =	ssyncset.done $0x0  }
0x10f: {  	s25 =	simm.s32 $0x7;
	[sflag:s24] =	ssyncadd.s32 $0xFFFFFF80  }
0x110: {  	_ =	swait.ge [sflag:s25], $0x2000  }
0x111: {  	[sflag:s25] =	ssyncset.done $0x0  }
0x112: {  	s16 =	simm.s32 $0x2280;
	s5 =	simm.s32 @!p0 $0xF;
	[sflag:s25] =	ssyncadd.s32 $0xFFFFE000  }
0x113: {  	[tilespmem:s16], [sflag:$0xC] =	stream.indirect.gather.add.f32 [hbm:s6], $0x40, s17, s17, $0xb8;
	[tilespmem:$0xA280] =	vst v63  }
0x114: {  	_ =	swait.ge @!p0 [sflag:s5], $0x2000  }
0x115: {  	s15 =	rddreg [dreg:$0x4]  }
0x116: {  	s15 =	sadd.s32 @!p0 s18, s15  }
0x117: {  	s15 =	sshll.u32 @!p0 s15, $0x3  }
0x118: {  	[sflag:s5] =	ssyncset.done @!p0 $0x0;
	s15 =	sand.u32 @!p0 $0x1FFFFC00, s15  }
0x119: {  	[sflag:s5] =	ssyncadd.s32 @!p0 $0xFFFFE000;
	s5 =	sadd.s32 @!p0 s7, s15;
	s15 =	simm.s32 @!p0 $0x8280  }
0x11a: {  	[hbm4b:s5+s14] =	stream.linear.scatter @!p0 [tilespmem:s15], [sflag:$0x14], $0x2000, $0x38;
	[tilespmem:$0xA280] =	vst v63  }
0x11b: {  	s5 =	simm.s32 @!p0 $0x14  }
0x11c: {  	_ =	swait.ge @!p0 [sflag:s5], $0x2000  }
0x11d: {  	s28 =	rddreg [dreg:$0x5]  }
0x11e: {  	s24 =	simm.s32 $0x200;
	s14 =	sadd.s32 s18, s28  }
0x11f: {  	[sflag:s5] =	ssyncset.done @!p0 $0x0;
	s29 =	sshrl.u32 s14, $0x3;
	s14 =	sshll.u32 s14, $0x3  }
0x120: {  	[sflag:s5] =	ssyncadd.s32 @!p0 $0xFFFFE000;
	s0 =	sadd.s32 s4, s29;
	s14 =	sand.u32 $0x1FFFFC00, s14  }
0x121: {  	[tilespmem:s24], [sflag:$0x5] =	stream.linear.gather [hbm4b:s0+s3], $0x80, $0x38;
	[tilespmem:$0xA280] =	vst v63  }
0x122: {  	s15 =	simm.s32 $0x3;
	s14 =	sadd.s32 s1, s14;
	s0 =	simm.s32 $0x8280  }
0x123: {  	[tilespmem:s0], [sflag:$0xA] =	stream.linear.gather [hbm4b:s14+s3], $0x2000, $0x38;
	[tilespmem:$0xA280] =	vst v63  }
0x124: {  	_ =	swait.ge [sflag:s15], $0x80  }
0x125: {  	[sflag:s15] =	ssyncset.done $0x0  }
0x126: {  	s25 =	simm.s32 $0x8;
	[sflag:s15] =	ssyncadd.s32 $0xFFFFFF80  }
0x127: {  	_ =	swait.ge [sflag:s25], $0x2000  }
0x128: {  	[sflag:s25] =	ssyncset.done $0x0  }
0x129: {  	s29 =	simm.s32 $0xB;
	s28 =	rddreg [dreg:$0xc];
	[sflag:s25] =	ssyncadd.s32 $0xFFFFE000  }
0x12a: {  	[tilespmem:s21], [sflag:$0xD] =	stream.indirect.gather.add.f32 [hbm:s6], $0x40, s20, s17, $0xb8;
	[tilespmem:$0xA280] =	vst v63  }
0x12b: {  	s5 =	sadd.s32 s28, s18;
	_ =	swait.ge [sflag:s29], $0x2000  }
0x12c: {  	s5 =	sshll.u32 s5, $0x3;
	[sflag:s29] =	ssyncset.done $0x0  }
0x12d: {  	p0 =	seq.s32 s13, $0x30C00;
	s5 =	sadd.s32 s7, s5;
	[sflag:s29] =	ssyncadd.s32 $0xFFFFE000  }
0x12e: {  	[hbm4b:s5+s3] =	stream.linear.scatter [tilespmem:s19], [sflag:$0x10], $0x2000, $0x38;
	[tilespmem:$0xA280] =	vst v63  }
0x12f: {  	s5 =	simm.s32 @!p0 $0x10  }
0x130: {  	_ =	swait.ge @!p0 [sflag:s5], $0x2000  }
0x131: {  	s14 =	rddreg [dreg:$0x6]  }
0x132: {  	[sflag:s5] =	ssyncset.done @!p0 $0x0;
	s14 =	sadd.s32 @!p0 s18, s14  }
0x133: {  	[sflag:s5] =	ssyncadd.s32 @!p0 $0xFFFFE000;
	s5 =	sshrl.u32 @!p0 s14, $0x3;
	s14 =	sshll.u32 @!p0 s14, $0x3  }
0x134: {  	s15 =	simm.s32 @!p0 $0x0;
	s5 =	sadd.s32 @!p0 s4, s5;
	s14 =	sand.u32 @!p0 $0x1FFFFC00, s14  }
0x135: {  	[tilespmem:s15], [sflag:$0x1] =	stream.linear.gather @!p0 [hbm4b:s5+s15], $0x80, $0x38;
	[tilespmem:$0xA280] =	vst v63  }
0x136: {  	s5 =	simm.s32 @!p0 $0x280;
	s14 =	sadd.s32 @!p0 s1, s14  }
0x137: {  	[tilespmem:s5], [sflag:$0x6] =	stream.linear.gather @!p0 [hbm4b:s14+s15], $0x2000, $0x38;
	[tilespmem:$0xA280] =	vst v63  }
0x138: {  	_ =	swait.ge [sflag:s2], $0x80  }
0x139: {  	[sflag:s2] =	ssyncset.done $0x0  }
0x13a: {  	[sflag:s2] =	ssyncadd.s32 $0xFFFFFF80  }
0x13b: {  	_ =	swait.ge [sflag:s8], $0x2000  }
0x13c: {  	[sflag:s8] =	ssyncset.done $0x0  }
0x13d: {  	[sflag:s8] =	ssyncadd.s32 $0xFFFFE000  }
0x13e: {  	[tilespmem:s23], [sflag:$0xE] =	stream.indirect.gather.add.f32 [hbm:s6], $0x40, s22, s17, $0xb8;
	[tilespmem:$0xA280] =	vst v63  }
0x13f: {  	_ =	swait.ge [sflag:s9], $0x2000  }
0x140: {  	s14 =	rddreg [dreg:$0xb];
	[sflag:s9] =	ssyncset.done $0x0  }
0x141: {  	[sflag:s9] =	ssyncadd.s32 $0xFFFFE000;
	s5 =	sadd.s32 s13, s14;
	s14 =	simm.s32 @!p0 $0x11  }
0x142: {  	[hbm4b:s5+s3] =	stream.linear.scatter [tilespmem:s16], [sflag:$0x11], $0x2000, $0x38;
	[tilespmem:$0xA280] =	vst v63  }
0x143: {  	_ =	swait.ge @!p0 [sflag:s14], $0x2000  }
0x144: {  	s5 =	rddreg [dreg:$0x7]  }
0x145: {  	[sflag:s14] =	ssyncset.done @!p0 $0x0;
	s5 =	sadd.s32 @!p0 s18, s5  }
0x146: {  	[sflag:s14] =	ssyncadd.s32 @!p0 $0xFFFFE000;
	s16 =	sshrl.u32 @!p0 s5, $0x3;
	s5 =	sshll.u32 @!p0 s5, $0x3  }
0x147: {  	s14 =	simm.s32 @!p0 $0x80;
	s16 =	sadd.s32 @!p0 s4, s16;
	s5 =	sand.u32 @!p0 $0x1FFFFC00, s5  }
0x148: {  	[tilespmem:s14], [sflag:$0x2] =	stream.linear.gather @!p0 [hbm4b:s16+s15], $0x80, $0x38;
	[tilespmem:$0xA280] =	vst v63  }
0x149: {  	s14 =	simm.s32 @!p0 $0x2280;
	s5 =	sadd.s32 @!p0 s1, s5  }
0x14a: {  	[tilespmem:s14], [sflag:$0x7] =	stream.linear.gather @!p0 [hbm4b:s5+s15], $0x2000, $0x38;
	[tilespmem:$0xA280] =	vst v63  }
0x14b: {  	_ =	swait.ge [sflag:s10], $0x80  }
0x14c: {  	[sflag:s10] =	ssyncset.done $0x0  }
0x14d: {  	[sflag:s10] =	ssyncadd.s32 $0xFFFFFF80  }
0x14e: {  	_ =	swait.ge [sflag:s11], $0x2000  }
0x14f: {  	[sflag:s11] =	ssyncset.done $0x0  }
0x150: {  	[sflag:s11] =	ssyncadd.s32 $0xFFFFE000  }
0x151: {  	[tilespmem:s0], [sflag:$0xF] =	stream.indirect.gather.add.f32 [hbm:s6], $0x40, s24, s17, $0xb8;
	[tilespmem:$0xA280] =	vst v63  }
0x152: {  	_ =	swait.ge [sflag:s12], $0x2000  }
0x153: {  	s15 =	rddreg [dreg:$0x9];
	[sflag:s12] =	ssyncset.done $0x0  }
0x154: {  	s16 =	simm.s32 $0xE;
	s5 =	sadd.s32 s13, s15;
	[sflag:s12] =	ssyncadd.s32 $0xFFFFE000  }
0x155: {  	[hbm4b:s5+s3] =	stream.linear.scatter [tilespmem:s21], [sflag:$0x12], $0x2000, $0x38;
	[tilespmem:$0xA280] =	vst v63  }
0x156: {  	_ =	swait.ge [sflag:s16], $0x2000  }
0x157: {  	[sflag:s16] =	ssyncset.done $0x0  }
0x158: {  	s19 =	simm.s32 $0xF;
	s18 =	rddreg [dreg:$0x11];
	[sflag:s16] =	ssyncadd.s32 $0xFFFFE000  }
0x159: {  	[hbm4b:s18+s3] =	stream.linear.scatter [tilespmem:s23], [sflag:$0x13], $0x2000, $0x38;
	[tilespmem:$0xA280] =	vst v63  }
0x15a: {  	_ =	swait.ge [sflag:s19], $0x2000  }
0x15b: {  	[sflag:s19] =	ssyncset.done $0x0  }
0x15c: {  	s21 =	simm.s32 $0x10;
	s20 =	rddreg [dreg:$0x12];
	[sflag:s19] =	ssyncadd.s32 $0xFFFFE000  }
0x15d: {  	[hbm4b:s20+s3] =	stream.linear.scatter [tilespmem:s0], [sflag:$0x14], $0x2000, $0x38;
	[tilespmem:$0xA280] =	vst v63  }
0x15e: {  	_ =	swait.ge [sflag:s21], $0x2000  }
0x15f: {  	[sflag:s21] =	ssyncset.done $0x0  }
0x160: {  	s22 =	simm.s32 $0x11;
	[sflag:s21] =	ssyncadd.s32 $0xFFFFE000  }
0x161: {  	_ =	swait.ge [sflag:s22], $0x2000  }
0x162: {  	[sflag:s22] =	ssyncset.done $0x0  }
0x163: {  	s23 =	simm.s32 $0x12;
	[sflag:s22] =	ssyncadd.s32 $0xFFFFE000  }
0x164: {  	_ =	swait.ge [sflag:s23], $0x2000  }
0x165: {  	[sflag:s23] =	ssyncset.done $0x0  }
0x166: {  	s24 =	simm.s32 $0x13;
	[sflag:s23] =	ssyncadd.s32 $0xFFFFE000  }
0x167: {  	_ =	swait.ge [sflag:s24], $0x2000  }
0x168: {  	[sflag:s24] =	ssyncset.done $0x0  }
0x169: {  	s25 =	simm.s32 $0x14;
	[sflag:s24] =	ssyncadd.s32 $0xFFFFE000  }
0x16a: {  	_ =	swait.ge [sflag:s25], $0x2000  }
0x16b: {  	s28 =	rddreg [dreg:$0x15]  }
0x16c: {  	s29 =	rddreg [dreg:$0x13];
	s13 =	sadd.s32 $0x1, s28  }
0x16d: {  	p0 =	sne.s32 s13, s29  }
.Ltmp1:
0x16e: {  	_ = 	snop;
	(pc) =	sbr.rel @p0 .LBB2_1-.Ltmp1, $3  }
0x16f: {  	_ =	sdelay $0x1  }
0x170: {  	[sflag:s25] =	ssyncset.done $0x0  }
0x171: {  	[sflag:s25] =	ssyncadd.s32 $0xFFFFE000  }
0x172: {  	_ =	sfence.sel $0x180000  }
0x173: {  	[bflag:$0x0] =	sbarrier.arrive $0xFFFF  }
0x174: {  	_ =	strace $0x90000047  }
0x175: {  	s0 =	stileid.u32;
	[bflag:$0x2] =	sbarrier.arrive $0xFFFF  }
0x176: {  	p0 =	sne.s32 s0, $0x0;
	s0 =	rddreg [dreg:$0x2]  }
0x177: {  	s0 =	sadd.s32 @!p0 $0x100000, s0  }
0x178: {  	[sflag:s0] =	ssyncadd.tile.s32 @!p0 $0x1;
	_ =	shalt  }
.Lfunc_end2:
_tile_overlayer_lowered:
.L_overlay_start_2:
0x179: {  	(tag) =	ssettag $0x2  }
0x17a: {  	s0 =	rddreg [dreg:$0x0];
	s2 =	stileid.u32  }
0x17b: {  	s1 =	rddreg [dreg:$0x1];
	p0 =	sne.s32 s2, $0x0  }
0x17c: {  	s3 =	rddreg [dreg:$0x2];
	[bflag:$0x3] =	sbarrier.arrive $0xFFFF;
	s2 =	simm.s32 @!p0 $0x1C15  }
0x17d: {  	[timem:s3], [sflag:s2] =	dma.local @!p0 [hbm:s0], s1  }
0x17e: {  	s0 =	simm.s32 @!p0 $0x15  }
0x17f: {  	_ =	swait.ge @!p0 [sflag:s0], s1  }
0x180: {  	s1 =	ssub.s32 @!p0 $0x0, s1;
	[sflag:s0] =	ssyncset.done @!p0 $0x0  }
0x181: {  	[sflag:s0] =	ssyncadd.s32 @!p0 s1  }
0x182: {  	[bflag:$0x3] =	sbarrier.arrive $0xFFFF  }
0x183: {  	_ =	shalt  }

// kernel: sparse-core-data-format-call.cloned.1.call-start
scs
called_computation_lowered:
.L_overlay_start_0:
0x0: {  	s2 =	sld [smem:$0x3FD9]  }
0x1: {  	s3 =	sld [smem:$0x3FFE];
	_ =	sdelay $0x1  }
0x2: {  	s1 =	srdreg.scid  }
0x3: {  	s0 =	sand.u32 $0x1, s1  }
0x4: {  	s18 =	sshll.u32 s0, $0xA;
	s2 =	sadd.s32 s3, s2  }
0x5: {  	s2 =	sadd.s32 s2, s18  }
0x6: {  	[smem:$0x3FC5] =	sst s2  }
0x7: {  	_ = 	snop  }
0x8: {  	s2 =	sld [smem:$0x3FD0];
	(tm) =	ssettm $0x1  }
0x9: {  	s19 =	sld [smem:$0x3FFB];
	_ =	sdelay $0x3  }
0xa: {  	_ =	strace s19  }
0xb: {  	s3 =	sld [smem:$0x3FFC];
	_ =	sdelay $0x3  }
0xc: {  	_ =	strace s3  }
0xd: {  	s3 =	sld [smem:$0x3FFD];
	_ =	sdelay $0x3  }
0xe: {  	_ =	strace s3  }
0xf: {  	_ =	strace $0x8FFFFFFF  }
0x10: {  	s20 =	sld [smem:$0x3FDB];
	_ =	sdelay $0x1  }
0x11: {  	s4 =	simm.s32 $_scs_section_size  }
0x12: {  	s5 =	simm.s32 $_size__tile_overlayer_lowered;
	s6 =	simm.s32 $_tile_overlayer_lowered  }
0x13: {  	s23 =	simm.s32 $0x1BFF;
	s22 =	sshll.u32 s6, $0x1;
	s3 =	sadd.s32 s4, s20  }
0x14: {  	s7 =	simm.s32 $0x0;
	s21 =	sshll.u32 s5, $0x1;
	s5 =	sadd.s32 s22, s3  }
0x15: {  	[timem:s7], [sflag:s23] =	dma.local [hbm:s5], s21  }
0x16: {  	_ =	swait.ge [sflag:s23], s21  }
0x17: {  	s4 =	ssub.s32 $0x0, s21;
	[sflag:s23] =	ssyncset.done $0x0  }
0x18: {  	[sflag:s23] =	ssyncadd.s32 s4;
	_ =	sdelay $0x1  }
0x19: {  	s24 =	simm.s32 $0x1B8B  }
0x1a: {  	_ =	swait.ge [sflag:s24], $0x1  }
0x1b: {  	[sflag:s24] =	ssyncset.done $0x0  }
0x1c: {  	s26 =	simm.s32 $0x1B8E;
	s25 =	sld [smem:$0x3FFE];
	[sflag:s24] =	ssyncadd.s32 $0xFFFFFFFF  }
0x1d: {  	s27 =	simm.s32 $execute0_lowered;
	[smem:$0x3FD2] =	sst s26  }
0x1e: {  	s5 =	sshll.u32 s27, $0x1;
	_ =	strace $0x80000049;
	[dreg:$0x1] =	wrdreg $0xFFFFFFFF  }
0x1f: {  	s28 =	simm.s32 $_size_execute0_lowered;
	s3 =	sadd.s32 s3, s5;
	[dreg:$0x0] =	wrdreg $0x0  }
0x20: {  	s5 =	sshll.u32 s28, $0x1;
	[dreg:$0x2] =	wrdreg s3  }
0x21: {  	[dreg:$0x3] =	wrdreg s5  }
0x22: {  	[dreg:$0x4] =	wrdreg $0xC0  }
0x23: {  	_ =	task [dreg:s7], $0x5FFFF  }
0x24: {  	[dreg:$0x1] =	wrdreg $0xFFFFFFFF  }
0x25: {  	[dreg:$0x0] =	wrdreg $0x60  }
0x26: {  	[dreg:$0x2] =	wrdreg s25  }
0x27: {  	[dreg:$0x3] =	wrdreg s2  }
0x28: {  	[dreg:$0x4] =	wrdreg $0x9  }
0x29: {  	_ =	task.clear_ibuf [dreg:s7], $0x5FFFF;
	_ =	strace $0x90000049  }
0x2a: {  	s29 =	simm.s32 $0x9;
	_ =	strace $0x8000004B  }
0x2b: {  	_ =	swait.ge [sflag:s29], $0x1  }
0x2c: {  	[sflag:s29] =	ssyncadd.s32 $0xFFFFFFFF  }
0x2d: {  	_ =	strace $0x9000004B  }
0x2e: {  	_ =	sfence  }
0x2f: {  	s30 =	sld [smem:$0x0];
	_ =	sdelay $0x2  }
0x30: {  	s31 =	sshll.u32 s1, $0xD;
	s1 =	sshrl.u32 s1, $0x2  }
0x31: {  	s3 =	sand.u32 $0x4000, s31;
	s1 =	sadd.s32 s1, s30  }
0x32: {  	s0 =	sor.u32 s3, s0;
	s1 =	sshll.u32 s1, $0x11  }
0x33: {  	s0 =	sor.u32 s1, s0  }
0x34: {  	s0 =	sadd.s32 $0x8F2B, s0  }
0x35: {  	[sflag:s0] =	ssyncadd.remote.s32 $0x1  }
0x36: {  	_ =	sfence.sel $0xFFFF  }
0x37: {  	[dreg:$0x0] =	wrdreg $0xFFFFFFFF;
	(pc) =	sbr.abs _section_cstart, $3  }
0x38: {  	[dreg:$0x1] =	wrdreg $0xFFFFFFFF  }
0x39: {  	_ =	task.clear_ibuf [dreg:s7], $0x2FFFF;
	_ =	strace $0x9FFFFFFF  }
0x3a: {  	(tm) =	ssettm $0x7FFFFFFF  }
0x3b: {  	_ =	shalt  }
tec
execute0_lowered:
.L_overlay_start_1:
0x0: {  	(tag) =	ssettag $0x1  }
0x1: {  	s0 =	srdreg.scid  }
0x2: {  	s1 =	sshll.u32 s0, $0x4  }
0x3: {  	s0 =	stileid.u32;
	s1 =	sand.u32 $0x10, s1  }
0x4: {  	s1 =	sor.u32 s0, s1  }
0x5: {  	s6 =	rddreg [dreg:$0x0];
	s4 =	simm.s32 $0x1;
	s2 =	sshll.u32 s1, $0x7  }
0x6: {  	s7 =	simm.s32 $0x2;
	s12 =	simm.s32 $0x0;
	s1 =	ssub.s32 $0x1000, s2  }
0x7: {  	s8 =	simm.s32 $0x8000;
	s13 =	simm.s32 $0x0;
	s3 =	sand.u32 $0xF80, s1  }
0x8: {  	s9 =	simm.s32 $0x0;
	s5 =	sshrl.u32 s1, $0xC;
	p0 =	sne.s32 s3, $0x0  }
.Ltmp0:
0x9: {  	s1 =	rddreg [dreg:$0x2];
	s4 =	simm.s32 @!p0 $0x0;
	(pc) =	sbr.rel .LBB1_1-.Ltmp0, $4  }
0xa: {  	s11 =	simm.s32 $0x0;
	s3 =	rddreg [dreg:$0x1];
	s5 =	sadd.s32 s4, s5  }
0xb: {  	_ =	strace $0x8000004A;
	s4 =	simm.s32 $0x1;
	s5 =	smul.u32 $0xC8, s5  }
0xc: {  	s6 =	sadd.s32 $0x65DC00, s6;
	s10 =	smov.u32 s2;
	[sflag:s4] =	ssyncpa.u1 $0x0  }
0xd: {  	p0 =	por $0x0, $0x0;
	[sflag:s7] =	ssyncpa.u1 $0x0;
	s7 =	sor.u32 $0x1, s5  }
.LBB1_4:
0xe: {  	s16 =	sshll.u32 s13, $0x3;
	s17 =	sand.u32 $0x78, s13  }
0xf: {  	s30 =	sand.u32 $0x7E00, s13;
	s12 =	sshll.u32 s12, $0xF;
	s16 =	sand.u32 $0xC00, s16  }
0x10: {  	[tilespmem:s15+$0x810 ss:$0x81] =	vst.msk $0xffff, v2;
	s31 =	sand.u32 $0x7, s13;
	s16 =	sor.u32 s17, s16;
	s17 =	sadd.s32 s3, s30  }
0x11: {  	[tilespmem:s15+$0x1020 ss:$0x81] =	vst.msk $0xffff, v0;
	s13 =	sshll.u32 s31, $0x12;
	s12 =	sadd.s32 s12, s17;
	s16 =	sshrl.u32 s16, $0x3  }
0x12: {  	[tilespmem:s15+$0x0 ss:$0x81] =	vst.msk $0xffff, v1;
	s13 =	sor.u32 $0x400, s13;
	s12 =	sadd.s32 s16, s12  }
0x13: {  	[hbm4b:s12+s13] =	stream.strided.scatter [tilespmem:s14], [sflag:$0x2], $0x2000, s8, s13, $0x20;
	[tilespmem:$0x8080] =	vst v63  }
.LBB1_5:
0x14: {  	s14 =	sadd.s32 $0x1, s9  }
0x15: {  	s12 =	sadd.s32 $0x1000, s10;
	s16 =	smov.u32 s10;
	p2 =	sgt.s32 s14, $0xC7  }
0x16: {  	s16 =	smov.u32 @p2 s12  }
0x17: {  	s14 =	simm.s32 @p2 $0x0;
	p2 =	sgt.s32 s16, $0xFFF  }
0x18: {  	s16 =	smov.u32 @p2 s2;
	p2 =	sne.s32 s11, s7  }
.Ltmp1:
0x19: {  	p1 =	slt.u32 s11, $0x2;
	(pc) =	sbr.rel @!p2 .LBB1_6-.Ltmp1, $4  }
0x1a: {  	s15 =	simm.s32 @!p1 $0x2  }
0x1b: {  	s13 =	smov.u32 s10;
	p0 =	por !p0, !p0;
	_ =	swait.ge @!p1 [sflag:s15], $0x2000  }
0x1c: {  	s12 =	smov.u32 s9;
	[sflag:s15] =	ssyncset.done @!p1 $0x0;
	s9 =	smov.u32 s14  }
0x1d: {  	s11 =	sadd.s32 $0x1, s11;
	[sflag:s15] =	ssyncadd.s32 @!p1 $0xFFFFE000;
	s10 =	smov.u32 s16  }
.LBB1_1:
0x1e: {  	p1 =	sge.u32 s11, s5  }
0x1f: {  	s14 =	sand.u32 @!p1 $0x1FFFFFF, s9  }
0x20: {  	s15 =	smulhi.u32 @!p1 $0x147AE15, s14;
	_ =	sdelay $0x1  }
0x21: {  	s15 =	smul.u32 @!p1 $0xC8, s15  }
0x22: {  	s16 =	sxor.u32 @!p1 $0xFFFFFFFF, s11;
	s17 =	smul.u32 @!p1 $0xC80, s10  }
0x23: {  	s31 =	sadd.s32 $0xFFFFFFFF, s11;
	s16 =	sshll.u32 @!p1 s16, $0xD;
	s14 =	ssub.s32 @!p1 s14, s15  }
0x24: {  	s15 =	sand.u32 @!p1 $0x2000, s16;
	s16 =	sadd.s32 @!p1 s6, s17;
	s14 =	sshll.u32 @!p1 s14, $0x4  }
0x25: {  	s17 =	simm.s32 @!p1 $0x6400;
	s14 =	sadd.s32 @!p1 s14, s16;
	s16 =	simm.s32 @!p1 $0x40  }
0x26: {  	[tilespmem:s15], [sflag:$0x1] =	stream.strided.gather @!p1 [hbm4b:s14+s16], $0x2000, s17, s16, $0x38;
	[tilespmem:$0x8080] =	vst v63  }
0x27: {  	p1 =	sge.u32 s31, s5  }
.Ltmp2:
0x28: {  	_ = 	snop;
	(pc) =	sbr.rel @p1 .LBB1_5-.Ltmp2, $1  }
0x29: {  	_ =	sdelay $0x3  }
0x2a: {  	s14 =	simm.s32 $0x1  }
0x2b: {  	_ =	swait.ge [sflag:s4], $0x2000;
	s14 =	simm.s32 @!p0 $0x0  }
0x2c: {  	[sflag:s4] =	ssyncset.done $0x0;
	s15 =	sshll.u32 s14, $0xD  }
0x2d: {  	[sflag:s4] =	ssyncadd.s32 $0xFFFFE000;
	s18 =	sor.u32 $0x20, s15  }
0x2e: {  	s14 =	smul.u32 $0x8100, s14;
	v3 =	vld [tilespmem:s18+$0x10]  }
0x2f: {  	s30 =	sand.u32 $0x1, s11;
	v2 =	vld [tilespmem:s18+$0xFFFFFFF0]  }
0x30: {  	s15 =	smul.u32 $0x8100, s30;
	s14 =	sshrl.u32 s14, $0x2;
	v0 =	vld [tilespmem:s18+$0x0]  }
0x31: {  	v1 =	vld [tilespmem:s18+$0xFFFFFFE0];
	s16 =	sor.u32 $0x4000, s14  }
0x32: {  	s31 =	sshrl.u32 s15, $0x2;
	s15 =	sadd.s32 $0x0, s16  }
0x33: {  	s17 =	simm.s32 $0x4;
	s18 =	sadd.s32 $0x40, s18;
	s14 =	sor.u32 $0x4000, s31;
	[tilespmem:s15+$0x1830 ss:$0x81] =	vst.msk $0xffff, v3  }
.LBB1_3:
0x34: {  	v3 =	vld [tilespmem:s18+$0x10];
	p1 =	sne.s32 s17, $0x1FC;
	[tilespmem:s15+$0x810 ss:$0x81] =	vst.msk $0xffff, v2;
	s19 =	smov.u32 s17;
	s17 =	sadd.s32 $0x4, s17  }
.Ltmp3:
0x35: {  	v2 =	vld [tilespmem:s18+$0xFFFFFFF0];
	[tilespmem:s15+$0x1020 ss:$0x81] =	vst.msk $0xffff, v0;
	(pc) =	sbr.rel @p1 .LBB1_3-.Ltmp3, $4  }
0x36: {  	v0 =	vld [tilespmem:s18+$0x0];
	[tilespmem:s15+$0x0 ss:$0x81] =	vst.msk $0xffff, v1  }
0x37: {  	s15 =	sshra.s32 s19, $0x2;
	v1 =	vld [tilespmem:s18+$0xFFFFFFE0]  }
0x38: {  	s15 =	sadd.s32 s15, s16  }
0x39: {  	s18 =	sadd.s32 $0x40, s18;
	[tilespmem:s15+$0x1830 ss:$0x81] =	vst.msk $0xffff, v3  }
.Ltmp4:
0x3a: {  	_ = 	snop;
	(pc) =	sbr.rel .LBB1_4-.Ltmp4, $1  }
0x3b: {  	_ =	sdelay $0x3  }
.LBB1_6:
0x3c: {  	_ =	sfence.sel $0x180000  }
0x3d: {  	s2 =	simm.s32 $0x1;
	[bflag:$0x0] =	sbarrier.arrive $0xFFFF  }
0x3e: {  	s31 =	simm.s32 $0x2;
	[sflag:s2] =	ssyncpa.u1 $0x1  }
0x3f: {  	[sflag:s31] =	ssyncpa.u1 $0x1  }
0x40: {  	p0 =	sne.s32 s0, $0x0;
	_ =	strace $0x9000004A  }
0x41: {  	s0 =	sadd.s32 @!p0 $0x100000, s1;
	[bflag:$0x2] =	sbarrier.arrive $0xFFFF  }
0x42: {  	[sflag:s0] =	ssyncadd.tile.s32 @!p0 $0x1;
	_ =	shalt  }
.Lfunc_end1:
_tile_overlayer_lowered:
.L_overlay_start_2:
0x43: {  	(tag) =	ssettag $0x2  }
0x44: {  	s0 =	rddreg [dreg:$0x0];
	s2 =	stileid.u32  }
0x45: {  	s1 =	rddreg [dreg:$0x1];
	p0 =	sne.s32 s2, $0x0  }
0x46: {  	s3 =	rddreg [dreg:$0x2];
	[bflag:$0x3] =	sbarrier.arrive $0xFFFF;
	s2 =	simm.s32 @!p0 $0x1C01  }
0x47: {  	[timem:s3], [sflag:s2] =	dma.local @!p0 [hbm:s0], s1  }
0x48: {  	s0 =	simm.s32 @!p0 $0x1  }
0x49: {  	_ =	swait.ge @!p0 [sflag:s0], s1  }
0x4a: {  	s1 =	ssub.s32 @!p0 $0x0, s1;
	[sflag:s0] =	ssyncset.done @!p0 $0x0  }
0x4b: {  	[sflag:s0] =	ssyncadd.s32 @!p0 s1  }
0x4c: {  	[bflag:$0x3] =	sbarrier.arrive $0xFFFF  }
0x4d: {  	_ =	shalt  }

</sc_bundles>
